<compile_context>
chip_gen: v7x
topology: tpu7x:2x2x1
jax: 0.10.2.dev20260603
libtpu: 0.0.44.dev20260713+nightly
codegen_flags: <defaults>
</compile_context>

<pallas_src>
import functools

import jax
import jax.numpy as jnp
from jax import lax
from jax.experimental import pallas as pl
from jax.experimental.pallas import tpu as pltpu
from jax.experimental.pallas import tpu_sc as plsc

_N = 100000
_G = 1024
_Z = 89
_TBL = 128
_PADIDX = 96
_NC = 2
_NS = 16
_NW = _NC * _NS
_CW = 128
_ROWS_PER_W = 25
_CHUNK = _ROWS_PER_W * _CW
_LAST_BASE = (_NW - 1) * _CHUNK
_LAST_REAL = _N - _LAST_BASE
_LAST_FULL = _LAST_REAL // _CW
_TAIL = _LAST_REAL - _LAST_FULL * _CW
_LAST_ROWS = _LAST_FULL + 1
_VECS_PER_ROW = _CW // 16
_S = 8
_ACC = _S * _G
_ZW = _ACC // _NS
_FW = _G // _NS


def _sc_body(nt_hbm, bt_hbm, tbl_hbm, out_hbm,
             nt_v, val_v, bt2_v, tbl_v, zero_v, facc_v, fold_v, acc_sh,
             sem_nt, sem_bt, sem_tb, sem_sc, sem_fd):
    cid = lax.axis_index("c")
    sid = lax.axis_index("s")
    wid = cid * _NS + sid
    is_last = wid == _NW - 1
    base = wid * _CHUNK

    pltpu.async_copy(tbl_hbm, tbl_v.at[pl.ds(0, _Z)], sem_tb)

    def brow(j, carry):
        pltpu.async_copy(bt_hbm.at[pl.ds(base + j * _CW, _CW)],
                         bt2_v.at[j], sem_bt)
        return carry

    @pl.when(jnp.logical_not(is_last))
    def _():
        pltpu.async_copy(nt_hbm.at[pl.ds(base, _CHUNK)], nt_v, sem_nt)
        lax.fori_loop(0, _ROWS_PER_W, brow, 0)

    @pl.when(is_last)
    def _():
        pltpu.async_copy(nt_hbm.at[pl.ds(_LAST_BASE, _LAST_REAL)],
                         nt_v.at[pl.ds(0, _LAST_REAL)], sem_nt)
        lax.fori_loop(0, _LAST_FULL, brow, 0)
        pltpu.async_copy(bt_hbm.at[pl.ds(_N - _TAIL, _TAIL)],
                         bt2_v.at[_LAST_FULL, pl.ds(0, _TAIL)], sem_bt)

    for i in range(_ZW // 16):
        zero_v[pl.ds(i * 16, 16)] = jnp.zeros((16,), jnp.float32)
    pltpu.sync_copy(zero_v, acc_sh.at[pl.ds(sid * _ZW, _ZW)])

    plsc.subcore_barrier()

    pltpu.make_async_copy(tbl_hbm, tbl_v.at[pl.ds(0, _Z)], sem_tb).wait()
    tbl_v[pl.ds(_PADIDX, 16)] = jnp.zeros((16,), jnp.float32)

    def bdrain(j, carry):
        pltpu.make_async_copy(bt_hbm.at[pl.ds(0, _CW)], bt2_v.at[0],
                              sem_bt).wait()
        return carry

    @pl.when(jnp.logical_not(is_last))
    def _():
        pltpu.make_async_copy(nt_hbm.at[pl.ds(0, _CHUNK)], nt_v,
                              sem_nt).wait()
        lax.fori_loop(0, _ROWS_PER_W, bdrain, 0)

    @pl.when(is_last)
    def _():
        pltpu.make_async_copy(nt_hbm.at[pl.ds(0, _LAST_REAL)],
                              nt_v.at[pl.ds(0, _LAST_REAL)], sem_nt).wait()
        lax.fori_loop(0, _LAST_FULL, bdrain, 0)
        pltpu.make_async_copy(bt_hbm.at[pl.ds(0, _TAIL)],
                              bt2_v.at[_LAST_FULL, pl.ds(0, _TAIL)],
                              sem_bt).wait()
        for k in range(_TAIL // 16, _VECS_PER_ROW):
            nt_v[pl.ds(_LAST_FULL * _CW + k * 16, 16)] = jnp.full(
                (16,), _PADIDX, jnp.int32)
            bt2_v[_LAST_FULL, pl.ds(k * 16, 16)] = jnp.zeros((16,),
                                                             jnp.int32)

    nrows = jnp.where(is_last, _LAST_ROWS, _ROWS_PER_W)

    salt = (lax.iota(jnp.int32, 16) % _S) * _G

    def row_step(j, carry):
        for k in range(_VECS_PER_ROW):
            off = j * _CW + k * 16
            bt2_v[j, pl.ds(k * 16, 16)] = (
                bt2_v[j, pl.ds(k * 16, 16)] + salt)
            idx = nt_v[pl.ds(off, 16)]
            val_v[pl.ds(off, 16)] = plsc.load_gather(tbl_v, [idx])
        pltpu.async_copy(val_v.at[pl.ds(j * _CW, _CW)],
                         acc_sh.at[bt2_v.at[j]], sem_sc, add=True)
        return carry

    lax.fori_loop(0, nrows, row_step, 0)

    def drain_step(j, carry):
        pltpu.make_async_copy(val_v.at[pl.ds(0, _CW)],
                              acc_sh.at[bt2_v.at[0]], sem_sc).wait()
        return carry

    lax.fori_loop(0, nrows, drain_step, 0)

    plsc.subcore_barrier()

    for c in range(_S):
        pltpu.async_copy(acc_sh.at[pl.ds(c * _G + sid * _FW, _FW)],
                         facc_v.at[pl.ds(c * _FW, _FW)], sem_fd)
    for c in range(_S):
        pltpu.make_async_copy(acc_sh.at[pl.ds(0, _FW)],
                              facc_v.at[pl.ds(0, _FW)], sem_fd).wait()
    for i in range(_FW // 16):
        tot = facc_v[pl.ds(i * 16, 16)]
        for c in range(1, _S):
            tot = tot + facc_v[pl.ds(c * _FW + i * 16, 16)]
        fold_v[pl.ds(i * 16, 16)] = tot
    pltpu.sync_copy(fold_v, out_hbm.at[cid, pl.ds(sid * _FW, _FW)])


@functools.cache
def _sc_call():
    mesh = plsc.VectorSubcoreMesh(
        core_axis_name="c", subcore_axis_name="s",
        num_cores=_NC, num_subcores=_NS)
    return pl.kernel(
        _sc_body,
        out_type=jax.ShapeDtypeStruct((_NC, _G), jnp.float32),
        mesh=mesh,
        compiler_params=pltpu.CompilerParams(needs_layout_passes=False),
        scratch_types=[
            pltpu.VMEM((_CHUNK,), jnp.int32),
            pltpu.VMEM((_CHUNK,), jnp.float32),
            pltpu.VMEM((_ROWS_PER_W, _CW), jnp.int32),
            pltpu.VMEM((_TBL,), jnp.float32),
            pltpu.VMEM((_ZW,), jnp.float32),
            pltpu.VMEM((_S * _FW,), jnp.float32),
            pltpu.VMEM((_FW,), jnp.float32),
            pltpu.VMEM_SHARED((_ACC,), jnp.float32),
            pltpu.SemaphoreType.DMA,
            pltpu.SemaphoreType.DMA,
            pltpu.SemaphoreType.DMA,
            pltpu.SemaphoreType.DMA,
            pltpu.SemaphoreType.DMA,
        ],
    )


def kernel(node_type, batch, property_offset):
    nt = node_type.astype(jnp.int32)
    bt = batch.astype(jnp.int32)
    tbl = property_offset.astype(jnp.float32)
    partial = _sc_call()(nt, bt, tbl)
    return partial[0] + partial[1]

# --- scband reference (transcript-rebuilt; emitter-appended) ---
"""Pipeline reference for scband-atom-ref-py-g-74560632258958 (READ-ONLY COPY).

The authoritative reference and input builder live on the scoring server;
editing this copy changes nothing except your own understanding.
"""

import jax, jax.numpy as jnp
import numpy as np

MAX_Z = 89
NUM_GRAPHS = 1024
N_NODES = 100000

def setup_inputs(seed: int = 0) -> dict:
    key = jax.random.key(seed)
    k1, k2, k3 = jax.random.split(key, 3)
    node_type = jax.random.randint(k1, (N_NODES,), 0, MAX_Z, dtype=jnp.int64 if jax.config.jax_enable_x64 else jnp.int32)
    batch = jnp.sort(jax.random.randint(k2, (N_NODES,), 0, NUM_GRAPHS, dtype=jnp.int64 if jax.config.jax_enable_x64 else jnp.int32))
    # property_offset buffer: per-element offset values (default zeros in module; use random here so output is nontrivial)
    property_offset = jax.random.normal(k3, (MAX_Z,), dtype=jnp.float32)
    return {"node_type": node_type, "batch": batch, "property_offset": property_offset}

def reference(node_type, batch, property_offset):
    # onehot buffer = eye(max_z); one_hot = onehot[node_type]
    onehot = jnp.eye(MAX_Z, dtype=jnp.float32)
    one_hot = jnp.take(onehot, node_type, axis=0)  # [N, max_z]
    # property_offset.repeat(num_nodes, 1) * one_hot -> broadcast multiply
    offset = property_offset[None, :] * one_hot  # [N, max_z]
    atomic_offset = jnp.sum(offset, axis=1)  # [N]
    # global_add_pool over batch ids
    offset_batched = jax.ops.segment_sum(atomic_offset, batch, num_segments=NUM_GRAPHS)
    return offset_batched

if __name__ == "__main__":
    import jax
    _d = setup_inputs()
    print(jax.jit(kernel)(*tuple(_d.values())))

</pallas_src>

<mosaic_0001>
#map = affine_map<(d0, d1) -> (0)>
#map1 = affine_map<(d0, d1) -> (0, 0)>
module attributes {stable_mosaic.version = 14 : i64} {
  func.func @_sc_body(%arg0: i32, %arg1: i32, %arg2: memref<100000xi32, #tpu.memory_space<hbm>>, %arg3: memref<100000xi32, #tpu.memory_space<hbm>>, %arg4: memref<89xf32, #tpu.memory_space<hbm>>, %arg5: memref<2x1024xf32, #tpu.memory_space<hbm>>, %arg6: memref<3200xi32, #tpu.memory_space<vmem>>, %arg7: memref<3200xf32, #tpu.memory_space<vmem>>, %arg8: memref<25x128xi32, #tpu.memory_space<vmem>>, %arg9: memref<128xf32, #tpu.memory_space<vmem>>, %arg10: memref<512xf32, #tpu.memory_space<vmem>>, %arg11: memref<512xf32, #tpu.memory_space<vmem>>, %arg12: memref<64xf32, #tpu.memory_space<vmem>>, %arg13: memref<8192xf32, #tpu.memory_space<vmem_shared>>, %arg14: memref<!tpu.dma_semaphore, #tpu.memory_space<semaphore_mem>>, %arg15: memref<!tpu.dma_semaphore, #tpu.memory_space<semaphore_mem>>, %arg16: memref<!tpu.dma_semaphore, #tpu.memory_space<semaphore_mem>>, %arg17: memref<!tpu.dma_semaphore, #tpu.memory_space<semaphore_mem>>, %arg18: memref<!tpu.dma_semaphore, #tpu.memory_space<semaphore_mem>>) attributes {dimension_semantics = [#tpu.dimension_semantics<core_parallel>, #tpu.dimension_semantics<subcore_parallel>], iteration_bounds = array<i64: 2, 16>, scalar_prefetch = 0 : i64, scratch_operands = 13 : i64, tpu.core_type = #tpu.core_type<sc_vector_subcore>, window_params = [{transform_indices = #map}, {transform_indices = #map}, {transform_indices = #map}, {transform_indices = #map1}]} {
    %mul3A = arith.constant 16 : i32
    %mul3A_0 = arith.muli %arg0, %mul3A : i32
    %add3A = arith.addi %mul3A_0, %arg1 : i32
    %eq3A = arith.constant 31 : i32
    %eq3A_1 = arith.cmpi eq, %add3A, %eq3A : i32
    %mul3A_2 = arith.constant 3200 : i32
    %mul3A_3 = arith.muli %add3A, %mul3A_2 : i32
    %dma_start3A = arith.constant 0 : i32
    %dma_start3A_4 = tpu.memref_slice %arg9[%dma_start3A] : memref<128xf32, #tpu.memory_space<vmem>> -> memref<89xf32, #tpu.memory_space<vmem>>
    %dma_start3A_5 = arith.constant 0 : i32
    %dma_start3A_6 = tpu.memref_slice %arg9[%dma_start3A_5] : memref<128xf32, #tpu.memory_space<vmem>> -> memref<89xf32, #tpu.memory_space<vmem>>
    tpu.enqueue_dma source(%arg4 : memref<89xf32, #tpu.memory_space<hbm>>) target(%dma_start3A_6 : memref<89xf32, #tpu.memory_space<vmem>>) target_semaphore(%arg16 : memref<!tpu.dma_semaphore, #tpu.memory_space<semaphore_mem>>)
    %not3A = arith.constant true
    %not3A_7 = arith.xori %eq3A_1, %not3A : i1
    %convert_element_type3A = arith.extui %not3A_7 : i1 to i32
    %cond3A = arith.constant 0 : i32
    %cond3A_8 = arith.cmpi ne, %convert_element_type3A, %cond3A : i32
    scf.if %cond3A_8 {
      %dma_start3A_442 = tpu.memref_slice %arg2[%mul3A_3] : memref<100000xi32, #tpu.memory_space<hbm>> -> memref<3200xi32, #tpu.memory_space<hbm>>
      %dma_start3A_443 = tpu.memref_slice %arg2[%mul3A_3] : memref<100000xi32, #tpu.memory_space<hbm>> -> memref<3200xi32, #tpu.memory_space<hbm>>
      tpu.enqueue_dma source(%dma_start3A_443 : memref<3200xi32, #tpu.memory_space<hbm>>) target(%arg6 : memref<3200xi32, #tpu.memory_space<vmem>>) target_semaphore(%arg14 : memref<!tpu.dma_semaphore, #tpu.memory_space<semaphore_mem>>)
      %scan3A = arith.constant 0 : i32
      %scan3A_444 = arith.constant 0 : i32
      %scan3A_445 = arith.constant 25 : i32
      %scan3A_446 = arith.addi %scan3A_444, %scan3A_445 : i32
      %scan3A_447 = arith.constant 1 : i32
      scf.for %scan3A_449 = %scan3A_444 to %scan3A_446 step %scan3A_447  : i32 {
        %mul3A_450 = arith.constant 128 : i32
        %mul3A_451 = arith.muli %scan3A_449, %mul3A_450 : i32
        %add3A_452 = arith.addi %mul3A_3, %mul3A_451 : i32
        %dma_start3A_453 = arith.constant 0 : i32
        %dma_start3A_454 = tpu.memref_slice %arg8[%scan3A_449, %dma_start3A_453] : memref<25x128xi32, #tpu.memory_space<vmem>> -> memref<1x128xi32, #tpu.memory_space<vmem>>
        %dma_start3A_455 = tpu.memref_squeeze %dma_start3A_454 : memref<1x128xi32, #tpu.memory_space<vmem>> -> memref<128xi32, #tpu.memory_space<vmem>>
        %dma_start3A_456 = tpu.memref_slice %arg3[%add3A_452] : memref<100000xi32, #tpu.memory_space<hbm>> -> memref<128xi32, #tpu.memory_space<hbm>>
        %dma_start3A_457 = arith.constant 0 : i32
        %dma_start3A_458 = tpu.memref_slice %arg8[%scan3A_449, %dma_start3A_457] : memref<25x128xi32, #tpu.memory_space<vmem>> -> memref<1x128xi32, #tpu.memory_space<vmem>>
        %dma_start3A_459 = tpu.memref_squeeze %dma_start3A_458 : memref<1x128xi32, #tpu.memory_space<vmem>> -> memref<128xi32, #tpu.memory_space<vmem>>
        %dma_start3A_460 = tpu.memref_slice %arg3[%add3A_452] : memref<100000xi32, #tpu.memory_space<hbm>> -> memref<128xi32, #tpu.memory_space<hbm>>
        tpu.enqueue_dma source(%dma_start3A_460 : memref<128xi32, #tpu.memory_space<hbm>>) target(%dma_start3A_459 : memref<128xi32, #tpu.memory_space<vmem>>) target_semaphore(%arg15 : memref<!tpu.dma_semaphore, #tpu.memory_space<semaphore_mem>>)
      }
      %scan3A_448 = arith.constant 25 : i32
    } else {
    }
    %convert_element_type3A_9 = arith.extui %eq3A_1 : i1 to i32
    %cond3A_10 = arith.constant 0 : i32
    %cond3A_11 = arith.cmpi ne, %convert_element_type3A_9, %cond3A_10 : i32
    scf.if %cond3A_11 {
      %dma_start3A_442 = arith.constant 0 : i32
      %dma_start3A_443 = tpu.memref_slice %arg6[%dma_start3A_442] : memref<3200xi32, #tpu.memory_space<vmem>> -> memref<800xi32, #tpu.memory_space<vmem>>
      %dma_start3A_444 = arith.constant 99200 : i32
      %dma_start3A_445 = tpu.memref_slice %arg2[%dma_start3A_444] : memref<100000xi32, #tpu.memory_space<hbm>> -> memref<800xi32, #tpu.memory_space<hbm>>
      %dma_start3A_446 = arith.constant 0 : i32
      %dma_start3A_447 = tpu.memref_slice %arg6[%dma_start3A_446] : memref<3200xi32, #tpu.memory_space<vmem>> -> memref<800xi32, #tpu.memory_space<vmem>>
      %dma_start3A_448 = arith.constant 99200 : i32
      %dma_start3A_449 = tpu.memref_slice %arg2[%dma_start3A_448] : memref<100000xi32, #tpu.memory_space<hbm>> -> memref<800xi32, #tpu.memory_space<hbm>>
      tpu.enqueue_dma source(%dma_start3A_449 : memref<800xi32, #tpu.memory_space<hbm>>) target(%dma_start3A_447 : memref<800xi32, #tpu.memory_space<vmem>>) target_semaphore(%arg14 : memref<!tpu.dma_semaphore, #tpu.memory_space<semaphore_mem>>)
      %scan3A = arith.constant 0 : i32
      %scan3A_450 = arith.constant 0 : i32
      %scan3A_451 = arith.constant 6 : i32
      %scan3A_452 = arith.addi %scan3A_450, %scan3A_451 : i32
      %scan3A_453 = arith.constant 1 : i32
      scf.for %scan3A_466 = %scan3A_450 to %scan3A_452 step %scan3A_453  : i32 {
        %mul3A_467 = arith.constant 128 : i32
        %mul3A_468 = arith.muli %scan3A_466, %mul3A_467 : i32
        %add3A_469 = arith.addi %mul3A_3, %mul3A_468 : i32
        %dma_start3A_470 = arith.constant 0 : i32
        %dma_start3A_471 = tpu.memref_slice %arg8[%scan3A_466, %dma_start3A_470] : memref<25x128xi32, #tpu.memory_space<vmem>> -> memref<1x128xi32, #tpu.memory_space<vmem>>
        %dma_start3A_472 = tpu.memref_squeeze %dma_start3A_471 : memref<1x128xi32, #tpu.memory_space<vmem>> -> memref<128xi32, #tpu.memory_space<vmem>>
        %dma_start3A_473 = tpu.memref_slice %arg3[%add3A_469] : memref<100000xi32, #tpu.memory_space<hbm>> -> memref<128xi32, #tpu.memory_space<hbm>>
        %dma_start3A_474 = arith.constant 0 : i32
        %dma_start3A_475 = tpu.memref_slice %arg8[%scan3A_466, %dma_start3A_474] : memref<25x128xi32, #tpu.memory_space<vmem>> -> memref<1x128xi32, #tpu.memory_space<vmem>>
        %dma_start3A_476 = tpu.memref_squeeze %dma_start3A_475 : memref<1x128xi32, #tpu.memory_space<vmem>> -> memref<128xi32, #tpu.memory_space<vmem>>
        %dma_start3A_477 = tpu.memref_slice %arg3[%add3A_469] : memref<100000xi32, #tpu.memory_space<hbm>> -> memref<128xi32, #tpu.memory_space<hbm>>
        tpu.enqueue_dma source(%dma_start3A_477 : memref<128xi32, #tpu.memory_space<hbm>>) target(%dma_start3A_476 : memref<128xi32, #tpu.memory_space<vmem>>) target_semaphore(%arg15 : memref<!tpu.dma_semaphore, #tpu.memory_space<semaphore_mem>>)
      }
      %scan3A_454 = arith.constant 6 : i32
      %dma_start3A_455 = arith.constant 6 : i32
      %dma_start3A_456 = arith.constant 0 : i32
      %dma_start3A_457 = tpu.memref_slice %arg8[%dma_start3A_455, %dma_start3A_456] : memref<25x128xi32, #tpu.memory_space<vmem>> -> memref<1x32xi32, #tpu.memory_space<vmem>>
      %dma_start3A_458 = tpu.memref_squeeze %dma_start3A_457 : memref<1x32xi32, #tpu.memory_space<vmem>> -> memref<32xi32, #tpu.memory_space<vmem>>
      %dma_start3A_459 = arith.constant 99968 : i32
      %dma_start3A_460 = tpu.memref_slice %arg3[%dma_start3A_459] : memref<100000xi32, #tpu.memory_space<hbm>> -> memref<32xi32, #tpu.memory_space<hbm>>
      %dma_start3A_461 = arith.constant 0 : i32
      %dma_start3A_462 = tpu.memref_slice %arg8[%dma_start3A_455, %dma_start3A_461] : memref<25x128xi32, #tpu.memory_space<vmem>> -> memref<1x32xi32, #tpu.memory_space<vmem>>
      %dma_start3A_463 = tpu.memref_squeeze %dma_start3A_462 : memref<1x32xi32, #tpu.memory_space<vmem>> -> memref<32xi32, #tpu.memory_space<vmem>>
      %dma_start3A_464 = arith.constant 99968 : i32
      %dma_start3A_465 = tpu.memref_slice %arg3[%dma_start3A_464] : memref<100000xi32, #tpu.memory_space<hbm>> -> memref<32xi32, #tpu.memory_space<hbm>>
      tpu.enqueue_dma source(%dma_start3A_465 : memref<32xi32, #tpu.memory_space<hbm>>) target(%dma_start3A_463 : memref<32xi32, #tpu.memory_space<vmem>>) target_semaphore(%arg15 : memref<!tpu.dma_semaphore, #tpu.memory_space<semaphore_mem>>)
    } else {
    }
    %broadcast_in_dim3A = arith.constant 0.000000e+00 : f32
    %broadcast_in_dim3A_12 = vector.broadcast %broadcast_in_dim3A : f32 to vector<16xf32>
    %swap3A = arith.constant 0 : index
    %swap3A_13 = tpu.vector_load %arg10[%swap3A] {strides = array<i32>} : memref<512xf32, #tpu.memory_space<vmem>>, vector<16xf32>,
    tpu.vector_store %arg10[%swap3A], %broadcast_in_dim3A_12 {strides = array<i32>} : memref<512xf32, #tpu.memory_space<vmem>>, vector<16xf32>,
    %broadcast_in_dim3A_14 = arith.constant 0.000000e+00 : f32
    %broadcast_in_dim3A_15 = vector.broadcast %broadcast_in_dim3A_14 : f32 to vector<16xf32>
    %swap3A_16 = arith.constant 16 : index
    %swap3A_17 = tpu.vector_load %arg10[%swap3A_16] {strides = array<i32>} : memref<512xf32, #tpu.memory_space<vmem>>, vector<16xf32>,
    tpu.vector_store %arg10[%swap3A_16], %broadcast_in_dim3A_15 {strides = array<i32>} : memref<512xf32, #tpu.memory_space<vmem>>, vector<16xf32>,
    %broadcast_in_dim3A_18 = arith.constant 0.000000e+00 : f32
    %broadcast_in_dim3A_19 = vector.broadcast %broadcast_in_dim3A_18 : f32 to vector<16xf32>
    %swap3A_20 = arith.constant 32 : index
    %swap3A_21 = tpu.vector_load %arg10[%swap3A_20] {strides = array<i32>} : memref<512xf32, #tpu.memory_space<vmem>>, vector<16xf32>,
    tpu.vector_store %arg10[%swap3A_20], %broadcast_in_dim3A_19 {strides = array<i32>} : memref<512xf32, #tpu.memory_space<vmem>>, vector<16xf32>,
    %broadcast_in_dim3A_22 = arith.constant 0.000000e+00 : f32
    %broadcast_in_dim3A_23 = vector.broadcast %broadcast_in_dim3A_22 : f32 to vector<16xf32>
    %swap3A_24 = arith.constant 48 : index
    %swap3A_25 = tpu.vector_load %arg10[%swap3A_24] {strides = array<i32>} : memref<512xf32, #tpu.memory_space<vmem>>, vector<16xf32>,
    tpu.vector_store %arg10[%swap3A_24], %broadcast_in_dim3A_23 {strides = array<i32>} : memref<512xf32, #tpu.memory_space<vmem>>, vector<16xf32>,
    %broadcast_in_dim3A_26 = arith.constant 0.000000e+00 : f32
    %broadcast_in_dim3A_27 = vector.broadcast %broadcast_in_dim3A_26 : f32 to vector<16xf32>
    %swap3A_28 = arith.constant 64 : index
    %swap3A_29 = tpu.vector_load %arg10[%swap3A_28] {strides = array<i32>} : memref<512xf32, #tpu.memory_space<vmem>>, vector<16xf32>,
    tpu.vector_store %arg10[%swap3A_28], %broadcast_in_dim3A_27 {strides = array<i32>} : memref<512xf32, #tpu.memory_space<vmem>>, vector<16xf32>,
    %broadcast_in_dim3A_30 = arith.constant 0.000000e+00 : f32
    %broadcast_in_dim3A_31 = vector.broadcast %broadcast_in_dim3A_30 : f32 to vector<16xf32>
    %swap3A_32 = arith.constant 80 : index
    %swap3A_33 = tpu.vector_load %arg10[%swap3A_32] {strides = array<i32>} : memref<512xf32, #tpu.memory_space<vmem>>, vector<16xf32>,
    tpu.vector_store %arg10[%swap3A_32], %broadcast_in_dim3A_31 {strides = array<i32>} : memref<512xf32, #tpu.memory_space<vmem>>, vector<16xf32>,
    %broadcast_in_dim3A_34 = arith.constant 0.000000e+00 : f32
    %broadcast_in_dim3A_35 = vector.broadcast %broadcast_in_dim3A_34 : f32 to vector<16xf32>
    %swap3A_36 = arith.constant 96 : index
    %swap3A_37 = tpu.vector_load %arg10[%swap3A_36] {strides = array<i32>} : memref<512xf32, #tpu.memory_space<vmem>>, vector<16xf32>,
    tpu.vector_store %arg10[%swap3A_36], %broadcast_in_dim3A_35 {strides = array<i32>} : memref<512xf32, #tpu.memory_space<vmem>>, vector<16xf32>,
    %broadcast_in_dim3A_38 = arith.constant 0.000000e+00 : f32
    %broadcast_in_dim3A_39 = vector.broadcast %broadcast_in_dim3A_38 : f32 to vector<16xf32>
    %swap3A_40 = arith.constant 112 : index
    %swap3A_41 = tpu.vector_load %arg10[%swap3A_40] {strides = array<i32>} : memref<512xf32, #tpu.memory_space<vmem>>, vector<16xf32>,
    tpu.vector_store %arg10[%swap3A_40], %broadcast_in_dim3A_39 {strides = array<i32>} : memref<512xf32, #tpu.memory_space<vmem>>, vector<16xf32>,
    %broadcast_in_dim3A_42 = arith.constant 0.000000e+00 : f32
    %broadcast_in_dim3A_43 = vector.broadcast %broadcast_in_dim3A_42 : f32 to vector<16xf32>
    %swap3A_44 = arith.constant 128 : index
    %swap3A_45 = tpu.vector_load %arg10[%swap3A_44] {strides = array<i32>} : memref<512xf32, #tpu.memory_space<vmem>>, vector<16xf32>,
    tpu.vector_store %arg10[%swap3A_44], %broadcast_in_dim3A_43 {strides = array<i32>} : memref<512xf32, #tpu.memory_space<vmem>>, vector<16xf32>,
    %broadcast_in_dim3A_46 = arith.constant 0.000000e+00 : f32
    %broadcast_in_dim3A_47 = vector.broadcast %broadcast_in_dim3A_46 : f32 to vector<16xf32>
    %swap3A_48 = arith.constant 144 : index
    %swap3A_49 = tpu.vector_load %arg10[%swap3A_48] {strides = array<i32>} : memref<512xf32, #tpu.memory_space<vmem>>, vector<16xf32>,
    tpu.vector_store %arg10[%swap3A_48], %broadcast_in_dim3A_47 {strides = array<i32>} : memref<512xf32, #tpu.memory_space<vmem>>, vector<16xf32>,
    %broadcast_in_dim3A_50 = arith.constant 0.000000e+00 : f32
    %broadcast_in_dim3A_51 = vector.broadcast %broadcast_in_dim3A_50 : f32 to vector<16xf32>
    %swap3A_52 = arith.constant 160 : index
    %swap3A_53 = tpu.vector_load %arg10[%swap3A_52] {strides = array<i32>} : memref<512xf32, #tpu.memory_space<vmem>>, vector<16xf32>,
    tpu.vector_store %arg10[%swap3A_52], %broadcast_in_dim3A_51 {strides = array<i32>} : memref<512xf32, #tpu.memory_space<vmem>>, vector<16xf32>,
    %broadcast_in_dim3A_54 = arith.constant 0.000000e+00 : f32
    %broadcast_in_dim3A_55 = vector.broadcast %broadcast_in_dim3A_54 : f32 to vector<16xf32>
    %swap3A_56 = arith.constant 176 : index
    %swap3A_57 = tpu.vector_load %arg10[%swap3A_56] {strides = array<i32>} : memref<512xf32, #tpu.memory_space<vmem>>, vector<16xf32>,
    tpu.vector_store %arg10[%swap3A_56], %broadcast_in_dim3A_55 {strides = array<i32>} : memref<512xf32, #tpu.memory_space<vmem>>, vector<16xf32>,
    %broadcast_in_dim3A_58 = arith.constant 0.000000e+00 : f32
    %broadcast_in_dim3A_59 = vector.broadcast %broadcast_in_dim3A_58 : f32 to vector<16xf32>
    %swap3A_60 = arith.constant 192 : index
    %swap3A_61 = tpu.vector_load %arg10[%swap3A_60] {strides = array<i32>} : memref<512xf32, #tpu.memory_space<vmem>>, vector<16xf32>,
    tpu.vector_store %arg10[%swap3A_60], %broadcast_in_dim3A_59 {strides = array<i32>} : memref<512xf32, #tpu.memory_space<vmem>>, vector<16xf32>,
    %broadcast_in_dim3A_62 = arith.constant 0.000000e+00 : f32
    %broadcast_in_dim3A_63 = vector.broadcast %broadcast_in_dim3A_62 : f32 to vector<16xf32>
    %swap3A_64 = arith.constant 208 : index
    %swap3A_65 = tpu.vector_load %arg10[%swap3A_64] {strides = array<i32>} : memref<512xf32, #tpu.memory_space<vmem>>, vector<16xf32>,
    tpu.vector_store %arg10[%swap3A_64], %broadcast_in_dim3A_63 {strides = array<i32>} : memref<512xf32, #tpu.memory_space<vmem>>, vector<16xf32>,
    %broadcast_in_dim3A_66 = arith.constant 0.000000e+00 : f32
    %broadcast_in_dim3A_67 = vector.broadcast %broadcast_in_dim3A_66 : f32 to vector<16xf32>
    %swap3A_68 = arith.constant 224 : index
    %swap3A_69 = tpu.vector_load %arg10[%swap3A_68] {strides = array<i32>} : memref<512xf32, #tpu.memory_space<vmem>>, vector<16xf32>,
    tpu.vector_store %arg10[%swap3A_68], %broadcast_in_dim3A_67 {strides = array<i32>} : memref<512xf32, #tpu.memory_space<vmem>>, vector<16xf32>,
    %broadcast_in_dim3A_70 = arith.constant 0.000000e+00 : f32
    %broadcast_in_dim3A_71 = vector.broadcast %broadcast_in_dim3A_70 : f32 to vector<16xf32>
    %swap3A_72 = arith.constant 240 : index
    %swap3A_73 = tpu.vector_load %arg10[%swap3A_72] {strides = array<i32>} : memref<512xf32, #tpu.memory_space<vmem>>, vector<16xf32>,
    tpu.vector_store %arg10[%swap3A_72], %broadcast_in_dim3A_71 {strides = array<i32>} : memref<512xf32, #tpu.memory_space<vmem>>, vector<16xf32>,
    %broadcast_in_dim3A_74 = arith.constant 0.000000e+00 : f32
    %broadcast_in_dim3A_75 = vector.broadcast %broadcast_in_dim3A_74 : f32 to vector<16xf32>
    %swap3A_76 = arith.constant 256 : index
    %swap3A_77 = tpu.vector_load %arg10[%swap3A_76] {strides = array<i32>} : memref<512xf32, #tpu.memory_space<vmem>>, vector<16xf32>,
    tpu.vector_store %arg10[%swap3A_76], %broadcast_in_dim3A_75 {strides = array<i32>} : memref<512xf32, #tpu.memory_space<vmem>>, vector<16xf32>,
    %broadcast_in_dim3A_78 = arith.constant 0.000000e+00 : f32
    %broadcast_in_dim3A_79 = vector.broadcast %broadcast_in_dim3A_78 : f32 to vector<16xf32>
    %swap3A_80 = arith.constant 272 : index
    %swap3A_81 = tpu.vector_load %arg10[%swap3A_80] {strides = array<i32>} : memref<512xf32, #tpu.memory_space<vmem>>, vector<16xf32>,
    tpu.vector_store %arg10[%swap3A_80], %broadcast_in_dim3A_79 {strides = array<i32>} : memref<512xf32, #tpu.memory_space<vmem>>, vector<16xf32>,
    %broadcast_in_dim3A_82 = arith.constant 0.000000e+00 : f32
    %broadcast_in_dim3A_83 = vector.broadcast %broadcast_in_dim3A_82 : f32 to vector<16xf32>
    %swap3A_84 = arith.constant 288 : index
    %swap3A_85 = tpu.vector_load %arg10[%swap3A_84] {strides = array<i32>} : memref<512xf32, #tpu.memory_space<vmem>>, vector<16xf32>,
    tpu.vector_store %arg10[%swap3A_84], %broadcast_in_dim3A_83 {strides = array<i32>} : memref<512xf32, #tpu.memory_space<vmem>>, vector<16xf32>,
    %broadcast_in_dim3A_86 = arith.constant 0.000000e+00 : f32
    %broadcast_in_dim3A_87 = vector.broadcast %broadcast_in_dim3A_86 : f32 to vector<16xf32>
    %swap3A_88 = arith.constant 304 : index
    %swap3A_89 = tpu.vector_load %arg10[%swap3A_88] {strides = array<i32>} : memref<512xf32, #tpu.memory_space<vmem>>, vector<16xf32>,
    tpu.vector_store %arg10[%swap3A_88], %broadcast_in_dim3A_87 {strides = array<i32>} : memref<512xf32, #tpu.memory_space<vmem>>, vector<16xf32>,
    %broadcast_in_dim3A_90 = arith.constant 0.000000e+00 : f32
    %broadcast_in_dim3A_91 = vector.broadcast %broadcast_in_dim3A_90 : f32 to vector<16xf32>
    %swap3A_92 = arith.constant 320 : index
    %swap3A_93 = tpu.vector_load %arg10[%swap3A_92] {strides = array<i32>} : memref<512xf32, #tpu.memory_space<vmem>>, vector<16xf32>,
    tpu.vector_store %arg10[%swap3A_92], %broadcast_in_dim3A_91 {strides = array<i32>} : memref<512xf32, #tpu.memory_space<vmem>>, vector<16xf32>,
    %broadcast_in_dim3A_94 = arith.constant 0.000000e+00 : f32
    %broadcast_in_dim3A_95 = vector.broadcast %broadcast_in_dim3A_94 : f32 to vector<16xf32>
    %swap3A_96 = arith.constant 336 : index
    %swap3A_97 = tpu.vector_load %arg10[%swap3A_96] {strides = array<i32>} : memref<512xf32, #tpu.memory_space<vmem>>, vector<16xf32>,
    tpu.vector_store %arg10[%swap3A_96], %broadcast_in_dim3A_95 {strides = array<i32>} : memref<512xf32, #tpu.memory_space<vmem>>, vector<16xf32>,
    %broadcast_in_dim3A_98 = arith.constant 0.000000e+00 : f32
    %broadcast_in_dim3A_99 = vector.broadcast %broadcast_in_dim3A_98 : f32 to vector<16xf32>
    %swap3A_100 = arith.constant 352 : index
    %swap3A_101 = tpu.vector_load %arg10[%swap3A_100] {strides = array<i32>} : memref<512xf32, #tpu.memory_space<vmem>>, vector<16xf32>,
    tpu.vector_store %arg10[%swap3A_100], %broadcast_in_dim3A_99 {strides = array<i32>} : memref<512xf32, #tpu.memory_space<vmem>>, vector<16xf32>,
    %broadcast_in_dim3A_102 = arith.constant 0.000000e+00 : f32
    %broadcast_in_dim3A_103 = vector.broadcast %broadcast_in_dim3A_102 : f32 to vector<16xf32>
    %swap3A_104 = arith.constant 368 : index
    %swap3A_105 = tpu.vector_load %arg10[%swap3A_104] {strides = array<i32>} : memref<512xf32, #tpu.memory_space<vmem>>, vector<16xf32>,
    tpu.vector_store %arg10[%swap3A_104], %broadcast_in_dim3A_103 {strides = array<i32>} : memref<512xf32, #tpu.memory_space<vmem>>, vector<16xf32>,
    %broadcast_in_dim3A_106 = arith.constant 0.000000e+00 : f32
    %broadcast_in_dim3A_107 = vector.broadcast %broadcast_in_dim3A_106 : f32 to vector<16xf32>
    %swap3A_108 = arith.constant 384 : index
    %swap3A_109 = tpu.vector_load %arg10[%swap3A_108] {strides = array<i32>} : memref<512xf32, #tpu.memory_space<vmem>>, vector<16xf32>,
    tpu.vector_store %arg10[%swap3A_108], %broadcast_in_dim3A_107 {strides = array<i32>} : memref<512xf32, #tpu.memory_space<vmem>>, vector<16xf32>,
    %broadcast_in_dim3A_110 = arith.constant 0.000000e+00 : f32
    %broadcast_in_dim3A_111 = vector.broadcast %broadcast_in_dim3A_110 : f32 to vector<16xf32>
    %swap3A_112 = arith.constant 400 : index
    %swap3A_113 = tpu.vector_load %arg10[%swap3A_112] {strides = array<i32>} : memref<512xf32, #tpu.memory_space<vmem>>, vector<16xf32>,
    tpu.vector_store %arg10[%swap3A_112], %broadcast_in_dim3A_111 {strides = array<i32>} : memref<512xf32, #tpu.memory_space<vmem>>, vector<16xf32>,
    %broadcast_in_dim3A_114 = arith.constant 0.000000e+00 : f32
    %broadcast_in_dim3A_115 = vector.broadcast %broadcast_in_dim3A_114 : f32 to vector<16xf32>
    %swap3A_116 = arith.constant 416 : index
    %swap3A_117 = tpu.vector_load %arg10[%swap3A_116] {strides = array<i32>} : memref<512xf32, #tpu.memory_space<vmem>>, vector<16xf32>,
    tpu.vector_store %arg10[%swap3A_116], %broadcast_in_dim3A_115 {strides = array<i32>} : memref<512xf32, #tpu.memory_space<vmem>>, vector<16xf32>,
    %broadcast_in_dim3A_118 = arith.constant 0.000000e+00 : f32
    %broadcast_in_dim3A_119 = vector.broadcast %broadcast_in_dim3A_118 : f32 to vector<16xf32>
    %swap3A_120 = arith.constant 432 : index
    %swap3A_121 = tpu.vector_load %arg10[%swap3A_120] {strides = array<i32>} : memref<512xf32, #tpu.memory_space<vmem>>, vector<16xf32>,
    tpu.vector_store %arg10[%swap3A_120], %broadcast_in_dim3A_119 {strides = array<i32>} : memref<512xf32, #tpu.memory_space<vmem>>, vector<16xf32>,
    %broadcast_in_dim3A_122 = arith.constant 0.000000e+00 : f32
    %broadcast_in_dim3A_123 = vector.broadcast %broadcast_in_dim3A_122 : f32 to vector<16xf32>
    %swap3A_124 = arith.constant 448 : index
    %swap3A_125 = tpu.vector_load %arg10[%swap3A_124] {strides = array<i32>} : memref<512xf32, #tpu.memory_space<vmem>>, vector<16xf32>,
    tpu.vector_store %arg10[%swap3A_124], %broadcast_in_dim3A_123 {strides = array<i32>} : memref<512xf32, #tpu.memory_space<vmem>>, vector<16xf32>,
    %broadcast_in_dim3A_126 = arith.constant 0.000000e+00 : f32
    %broadcast_in_dim3A_127 = vector.broadcast %broadcast_in_dim3A_126 : f32 to vector<16xf32>
    %swap3A_128 = arith.constant 464 : index
    %swap3A_129 = tpu.vector_load %arg10[%swap3A_128] {strides = array<i32>} : memref<512xf32, #tpu.memory_space<vmem>>, vector<16xf32>,
    tpu.vector_store %arg10[%swap3A_128], %broadcast_in_dim3A_127 {strides = array<i32>} : memref<512xf32, #tpu.memory_space<vmem>>, vector<16xf32>,
    %broadcast_in_dim3A_130 = arith.constant 0.000000e+00 : f32
    %broadcast_in_dim3A_131 = vector.broadcast %broadcast_in_dim3A_130 : f32 to vector<16xf32>
    %swap3A_132 = arith.constant 480 : index
    %swap3A_133 = tpu.vector_load %arg10[%swap3A_132] {strides = array<i32>} : memref<512xf32, #tpu.memory_space<vmem>>, vector<16xf32>,
    tpu.vector_store %arg10[%swap3A_132], %broadcast_in_dim3A_131 {strides = array<i32>} : memref<512xf32, #tpu.memory_space<vmem>>, vector<16xf32>,
    %broadcast_in_dim3A_134 = arith.constant 0.000000e+00 : f32
    %broadcast_in_dim3A_135 = vector.broadcast %broadcast_in_dim3A_134 : f32 to vector<16xf32>
    %swap3A_136 = arith.constant 496 : index
    %swap3A_137 = tpu.vector_load %arg10[%swap3A_136] {strides = array<i32>} : memref<512xf32, #tpu.memory_space<vmem>>, vector<16xf32>,
    tpu.vector_store %arg10[%swap3A_136], %broadcast_in_dim3A_135 {strides = array<i32>} : memref<512xf32, #tpu.memory_space<vmem>>, vector<16xf32>,
    %mul3A_138 = arith.constant 512 : i32
    %mul3A_139 = arith.muli %arg1, %mul3A_138 : i32
    "tpu.region"() ({
      %run_scoped3A = tpu.sem_alloc : memref<!tpu.dma_semaphore, #tpu.memory_space<semaphore_mem>>
      %dma_start3A_442 = tpu.memref_slice %arg13[%mul3A_139] : memref<8192xf32, #tpu.memory_space<vmem_shared>> -> memref<512xf32, #tpu.memory_space<vmem_shared>>
      %dma_start3A_443 = tpu.memref_slice %arg13[%mul3A_139] : memref<8192xf32, #tpu.memory_space<vmem_shared>> -> memref<512xf32, #tpu.memory_space<vmem_shared>>
      tpu.enqueue_dma source(%arg10 : memref<512xf32, #tpu.memory_space<vmem>>) target(%dma_start3A_443 : memref<512xf32, #tpu.memory_space<vmem_shared>>) target_semaphore(%run_scoped3A : memref<!tpu.dma_semaphore, #tpu.memory_space<semaphore_mem>>)
      %dma_wait3A_444 = tpu.memref_slice %arg13[%mul3A_139] : memref<8192xf32, #tpu.memory_space<vmem_shared>> -> memref<512xf32, #tpu.memory_space<vmem_shared>>
      %dma_wait3A_445 = tpu.memref_slice %arg13[%mul3A_139] : memref<8192xf32, #tpu.memory_space<vmem_shared>> -> memref<512xf32, #tpu.memory_space<vmem_shared>>
      tpu.wait_dma2 semaphore(%run_scoped3A : memref<!tpu.dma_semaphore, #tpu.memory_space<semaphore_mem>>) src(%arg10 : memref<512xf32, #tpu.memory_space<vmem>>) dst(%dma_wait3A_445 : memref<512xf32, #tpu.memory_space<vmem_shared>>)
      tpu.yield
    }) : () -> ()
    %barrier3A = arith.constant 0 : index
    tpu.barrier barrier_id(%barrier3A)
    %dma_wait3A = arith.constant 0 : i32
    %dma_wait3A_140 = tpu.memref_slice %arg9[%dma_wait3A] : memref<128xf32, #tpu.memory_space<vmem>> -> memref<89xf32, #tpu.memory_space<vmem>>
    %dma_wait3A_141 = arith.constant 0 : i32
    %dma_wait3A_142 = tpu.memref_slice %arg9[%dma_wait3A_141] : memref<128xf32, #tpu.memory_space<vmem>> -> memref<89xf32, #tpu.memory_space<vmem>>
    tpu.wait_dma2 semaphore(%arg16 : memref<!tpu.dma_semaphore, #tpu.memory_space<semaphore_mem>>) src(%arg4 : memref<89xf32, #tpu.memory_space<hbm>>) dst(%dma_wait3A_142 : memref<89xf32, #tpu.memory_space<vmem>>)
    %broadcast_in_dim3A_143 = arith.constant 0.000000e+00 : f32
    %broadcast_in_dim3A_144 = vector.broadcast %broadcast_in_dim3A_143 : f32 to vector<16xf32>
    %swap3A_145 = arith.constant 96 : index
    %swap3A_146 = tpu.vector_load %arg9[%swap3A_145] {strides = array<i32>} : memref<128xf32, #tpu.memory_space<vmem>>, vector<16xf32>,
    tpu.vector_store %arg9[%swap3A_145], %broadcast_in_dim3A_144 {strides = array<i32>} : memref<128xf32, #tpu.memory_space<vmem>>, vector<16xf32>,
    %not3A_147 = arith.constant true
    %not3A_148 = arith.xori %eq3A_1, %not3A_147 : i1
    %convert_element_type3A_149 = arith.extui %not3A_148 : i1 to i32
    %cond3A_150 = arith.constant 0 : i32
    %cond3A_151 = arith.cmpi ne, %convert_element_type3A_149, %cond3A_150 : i32
    scf.if %cond3A_151 {
      %dma_wait3A_442 = arith.constant 0 : i32
      %dma_wait3A_443 = tpu.memref_slice %arg2[%dma_wait3A_442] : memref<100000xi32, #tpu.memory_space<hbm>> -> memref<3200xi32, #tpu.memory_space<hbm>>
      %dma_wait3A_444 = arith.constant 0 : i32
      %dma_wait3A_445 = tpu.memref_slice %arg2[%dma_wait3A_444] : memref<100000xi32, #tpu.memory_space<hbm>> -> memref<3200xi32, #tpu.memory_space<hbm>>
      tpu.wait_dma2 semaphore(%arg14 : memref<!tpu.dma_semaphore, #tpu.memory_space<semaphore_mem>>) src(%dma_wait3A_445 : memref<3200xi32, #tpu.memory_space<hbm>>) dst(%arg6 : memref<3200xi32, #tpu.memory_space<vmem>>)
      %scan3A = arith.constant 0 : i32
      %scan3A_446 = arith.constant 0 : i32
      %scan3A_447 = arith.constant 25 : i32
      %scan3A_448 = arith.addi %scan3A_446, %scan3A_447 : i32
      %scan3A_449 = arith.constant 1 : i32
      scf.for %scan3A_451 = %scan3A_446 to %scan3A_448 step %scan3A_449  : i32 {
        %dma_wait3A_452 = arith.constant 0 : i32
        %dma_wait3A_453 = arith.constant 0 : i32
        %dma_wait3A_454 = tpu.memref_slice %arg8[%dma_wait3A_452, %dma_wait3A_453] : memref<25x128xi32, #tpu.memory_space<vmem>> -> memref<1x128xi32, #tpu.memory_space<vmem>>
        %dma_wait3A_455 = tpu.memref_squeeze %dma_wait3A_454 : memref<1x128xi32, #tpu.memory_space<vmem>> -> memref<128xi32, #tpu.memory_space<vmem>>
        %dma_wait3A_456 = arith.constant 0 : i32
        %dma_wait3A_457 = tpu.memref_slice %arg3[%dma_wait3A_456] : memref<100000xi32, #tpu.memory_space<hbm>> -> memref<128xi32, #tpu.memory_space<hbm>>
        %dma_wait3A_458 = arith.constant 0 : i32
        %dma_wait3A_459 = tpu.memref_slice %arg8[%dma_wait3A_452, %dma_wait3A_458] : memref<25x128xi32, #tpu.memory_space<vmem>> -> memref<1x128xi32, #tpu.memory_space<vmem>>
        %dma_wait3A_460 = tpu.memref_squeeze %dma_wait3A_459 : memref<1x128xi32, #tpu.memory_space<vmem>> -> memref<128xi32, #tpu.memory_space<vmem>>
        %dma_wait3A_461 = arith.constant 0 : i32
        %dma_wait3A_462 = tpu.memref_slice %arg3[%dma_wait3A_461] : memref<100000xi32, #tpu.memory_space<hbm>> -> memref<128xi32, #tpu.memory_space<hbm>>
        tpu.wait_dma2 semaphore(%arg15 : memref<!tpu.dma_semaphore, #tpu.memory_space<semaphore_mem>>) src(%dma_wait3A_462 : memref<128xi32, #tpu.memory_space<hbm>>) dst(%dma_wait3A_460 : memref<128xi32, #tpu.memory_space<vmem>>)
      }
      %scan3A_450 = arith.constant 25 : i32
    } else {
    }
    %convert_element_type3A_152 = arith.extui %eq3A_1 : i1 to i32
    %cond3A_153 = arith.constant 0 : i32
    %cond3A_154 = arith.cmpi ne, %convert_element_type3A_152, %cond3A_153 : i32
    scf.if %cond3A_154 {
      %dma_wait3A_442 = arith.constant 0 : i32
      %dma_wait3A_443 = tpu.memref_slice %arg6[%dma_wait3A_442] : memref<3200xi32, #tpu.memory_space<vmem>> -> memref<800xi32, #tpu.memory_space<vmem>>
      %dma_wait3A_444 = arith.constant 0 : i32
      %dma_wait3A_445 = tpu.memref_slice %arg2[%dma_wait3A_444] : memref<100000xi32, #tpu.memory_space<hbm>> -> memref<800xi32, #tpu.memory_space<hbm>>
      %dma_wait3A_446 = arith.constant 0 : i32
      %dma_wait3A_447 = tpu.memref_slice %arg6[%dma_wait3A_446] : memref<3200xi32, #tpu.memory_space<vmem>> -> memref<800xi32, #tpu.memory_space<vmem>>
      %dma_wait3A_448 = arith.constant 0 : i32
      %dma_wait3A_449 = tpu.memref_slice %arg2[%dma_wait3A_448] : memref<100000xi32, #tpu.memory_space<hbm>> -> memref<800xi32, #tpu.memory_space<hbm>>
      tpu.wait_dma2 semaphore(%arg14 : memref<!tpu.dma_semaphore, #tpu.memory_space<semaphore_mem>>) src(%dma_wait3A_449 : memref<800xi32, #tpu.memory_space<hbm>>) dst(%dma_wait3A_447 : memref<800xi32, #tpu.memory_space<vmem>>)
      %scan3A = arith.constant 0 : i32
      %scan3A_450 = arith.constant 0 : i32
      %scan3A_451 = arith.constant 6 : i32
      %scan3A_452 = arith.addi %scan3A_450, %scan3A_451 : i32
      %scan3A_453 = arith.constant 1 : i32
      scf.for %scan3A_526 = %scan3A_450 to %scan3A_452 step %scan3A_453  : i32 {
        %dma_wait3A_527 = arith.constant 0 : i32
        %dma_wait3A_528 = arith.constant 0 : i32
        %dma_wait3A_529 = tpu.memref_slice %arg8[%dma_wait3A_527, %dma_wait3A_528] : memref<25x128xi32, #tpu.memory_space<vmem>> -> memref<1x128xi32, #tpu.memory_space<vmem>>
        %dma_wait3A_530 = tpu.memref_squeeze %dma_wait3A_529 : memref<1x128xi32, #tpu.memory_space<vmem>> -> memref<128xi32, #tpu.memory_space<vmem>>
        %dma_wait3A_531 = arith.constant 0 : i32
        %dma_wait3A_532 = tpu.memref_slice %arg3[%dma_wait3A_531] : memref<100000xi32, #tpu.memory_space<hbm>> -> memref<128xi32, #tpu.memory_space<hbm>>
        %dma_wait3A_533 = arith.constant 0 : i32
        %dma_wait3A_534 = tpu.memref_slice %arg8[%dma_wait3A_527, %dma_wait3A_533] : memref<25x128xi32, #tpu.memory_space<vmem>> -> memref<1x128xi32, #tpu.memory_space<vmem>>
        %dma_wait3A_535 = tpu.memref_squeeze %dma_wait3A_534 : memref<1x128xi32, #tpu.memory_space<vmem>> -> memref<128xi32, #tpu.memory_space<vmem>>
        %dma_wait3A_536 = arith.constant 0 : i32
        %dma_wait3A_537 = tpu.memref_slice %arg3[%dma_wait3A_536] : memref<100000xi32, #tpu.memory_space<hbm>> -> memref<128xi32, #tpu.memory_space<hbm>>
        tpu.wait_dma2 semaphore(%arg15 : memref<!tpu.dma_semaphore, #tpu.memory_space<semaphore_mem>>) src(%dma_wait3A_537 : memref<128xi32, #tpu.memory_space<hbm>>) dst(%dma_wait3A_535 : memref<128xi32, #tpu.memory_space<vmem>>)
      }
      %scan3A_454 = arith.constant 6 : i32
      %dma_wait3A_455 = arith.constant 6 : i32
      %dma_wait3A_456 = arith.constant 0 : i32
      %dma_wait3A_457 = tpu.memref_slice %arg8[%dma_wait3A_455, %dma_wait3A_456] : memref<25x128xi32, #tpu.memory_space<vmem>> -> memref<1x32xi32, #tpu.memory_space<vmem>>
      %dma_wait3A_458 = tpu.memref_squeeze %dma_wait3A_457 : memref<1x32xi32, #tpu.memory_space<vmem>> -> memref<32xi32, #tpu.memory_space<vmem>>
      %dma_wait3A_459 = arith.constant 0 : i32
      %dma_wait3A_460 = tpu.memref_slice %arg3[%dma_wait3A_459] : memref<100000xi32, #tpu.memory_space<hbm>> -> memref<32xi32, #tpu.memory_space<hbm>>
      %dma_wait3A_461 = arith.constant 0 : i32
      %dma_wait3A_462 = tpu.memref_slice %arg8[%dma_wait3A_455, %dma_wait3A_461] : memref<25x128xi32, #tpu.memory_space<vmem>> -> memref<1x32xi32, #tpu.memory_space<vmem>>
      %dma_wait3A_463 = tpu.memref_squeeze %dma_wait3A_462 : memref<1x32xi32, #tpu.memory_space<vmem>> -> memref<32xi32, #tpu.memory_space<vmem>>
      %dma_wait3A_464 = arith.constant 0 : i32
      %dma_wait3A_465 = tpu.memref_slice %arg3[%dma_wait3A_464] : memref<100000xi32, #tpu.memory_space<hbm>> -> memref<32xi32, #tpu.memory_space<hbm>>
      tpu.wait_dma2 semaphore(%arg15 : memref<!tpu.dma_semaphore, #tpu.memory_space<semaphore_mem>>) src(%dma_wait3A_465 : memref<32xi32, #tpu.memory_space<hbm>>) dst(%dma_wait3A_463 : memref<32xi32, #tpu.memory_space<vmem>>)
      %broadcast_in_dim3A_466 = arith.constant 96 : i32
      %broadcast_in_dim3A_467 = vector.broadcast %broadcast_in_dim3A_466 : i32 to vector<16xi32>
      %swap3A_468 = arith.constant 800 : index
      %swap3A_469 = tpu.vector_load %arg6[%swap3A_468] {strides = array<i32>} : memref<3200xi32, #tpu.memory_space<vmem>>, vector<16xi32>,
      tpu.vector_store %arg6[%swap3A_468], %broadcast_in_dim3A_467 {strides = array<i32>} : memref<3200xi32, #tpu.memory_space<vmem>>, vector<16xi32>,
      %broadcast_in_dim3A_470 = arith.constant 0 : i32
      %broadcast_in_dim3A_471 = vector.broadcast %broadcast_in_dim3A_470 : i32 to vector<16xi32>
      %swap3A_472 = arith.constant 6 : i32
      %swap3A_473 = arith.index_cast %swap3A_472 : i32 to index
      %swap3A_474 = arith.constant 32 : index
      %swap3A_475 = tpu.vector_load %arg8[%swap3A_473, %swap3A_474] {strides = array<i32>} : memref<25x128xi32, #tpu.memory_space<vmem>>, vector<16xi32>,
      tpu.vector_store %arg8[%swap3A_473, %swap3A_474], %broadcast_in_dim3A_471 {strides = array<i32>} : memref<25x128xi32, #tpu.memory_space<vmem>>, vector<16xi32>,
      %broadcast_in_dim3A_476 = arith.constant 96 : i32
      %broadcast_in_dim3A_477 = vector.broadcast %broadcast_in_dim3A_476 : i32 to vector<16xi32>
      %swap3A_478 = arith.constant 816 : index
      %swap3A_479 = tpu.vector_load %arg6[%swap3A_478] {strides = array<i32>} : memref<3200xi32, #tpu.memory_space<vmem>>, vector<16xi32>,
      tpu.vector_store %arg6[%swap3A_478], %broadcast_in_dim3A_477 {strides = array<i32>} : memref<3200xi32, #tpu.memory_space<vmem>>, vector<16xi32>,
      %broadcast_in_dim3A_480 = arith.constant 0 : i32
      %broadcast_in_dim3A_481 = vector.broadcast %broadcast_in_dim3A_480 : i32 to vector<16xi32>
      %swap3A_482 = arith.constant 6 : i32
      %swap3A_483 = arith.index_cast %swap3A_482 : i32 to index
      %swap3A_484 = arith.constant 48 : index
      %swap3A_485 = tpu.vector_load %arg8[%swap3A_483, %swap3A_484] {strides = array<i32>} : memref<25x128xi32, #tpu.memory_space<vmem>>, vector<16xi32>,
      tpu.vector_store %arg8[%swap3A_483, %swap3A_484], %broadcast_in_dim3A_481 {strides = array<i32>} : memref<25x128xi32, #tpu.memory_space<vmem>>, vector<16xi32>,
      %broadcast_in_dim3A_486 = arith.constant 96 : i32
      %broadcast_in_dim3A_487 = vector.broadcast %broadcast_in_dim3A_486 : i32 to vector<16xi32>
      %swap3A_488 = arith.constant 832 : index
      %swap3A_489 = tpu.vector_load %arg6[%swap3A_488] {strides = array<i32>} : memref<3200xi32, #tpu.memory_space<vmem>>, vector<16xi32>,
      tpu.vector_store %arg6[%swap3A_488], %broadcast_in_dim3A_487 {strides = array<i32>} : memref<3200xi32, #tpu.memory_space<vmem>>, vector<16xi32>,
      %broadcast_in_dim3A_490 = arith.constant 0 : i32
      %broadcast_in_dim3A_491 = vector.broadcast %broadcast_in_dim3A_490 : i32 to vector<16xi32>
      %swap3A_492 = arith.constant 6 : i32
      %swap3A_493 = arith.index_cast %swap3A_492 : i32 to index
      %swap3A_494 = arith.constant 64 : index
      %swap3A_495 = tpu.vector_load %arg8[%swap3A_493, %swap3A_494] {strides = array<i32>} : memref<25x128xi32, #tpu.memory_space<vmem>>, vector<16xi32>,
      tpu.vector_store %arg8[%swap3A_493, %swap3A_494], %broadcast_in_dim3A_491 {strides = array<i32>} : memref<25x128xi32, #tpu.memory_space<vmem>>, vector<16xi32>,
      %broadcast_in_dim3A_496 = arith.constant 96 : i32
      %broadcast_in_dim3A_497 = vector.broadcast %broadcast_in_dim3A_496 : i32 to vector<16xi32>
      %swap3A_498 = arith.constant 848 : index
      %swap3A_499 = tpu.vector_load %arg6[%swap3A_498] {strides = array<i32>} : memref<3200xi32, #tpu.memory_space<vmem>>, vector<16xi32>,
      tpu.vector_store %arg6[%swap3A_498], %broadcast_in_dim3A_497 {strides = array<i32>} : memref<3200xi32, #tpu.memory_space<vmem>>, vector<16xi32>,
      %broadcast_in_dim3A_500 = arith.constant 0 : i32
      %broadcast_in_dim3A_501 = vector.broadcast %broadcast_in_dim3A_500 : i32 to vector<16xi32>
      %swap3A_502 = arith.constant 6 : i32
      %swap3A_503 = arith.index_cast %swap3A_502 : i32 to index
      %swap3A_504 = arith.constant 80 : index
      %swap3A_505 = tpu.vector_load %arg8[%swap3A_503, %swap3A_504] {strides = array<i32>} : memref<25x128xi32, #tpu.memory_space<vmem>>, vector<16xi32>,
      tpu.vector_store %arg8[%swap3A_503, %swap3A_504], %broadcast_in_dim3A_501 {strides = array<i32>} : memref<25x128xi32, #tpu.memory_space<vmem>>, vector<16xi32>,
      %broadcast_in_dim3A_506 = arith.constant 96 : i32
      %broadcast_in_dim3A_507 = vector.broadcast %broadcast_in_dim3A_506 : i32 to vector<16xi32>
      %swap3A_508 = arith.constant 864 : index
      %swap3A_509 = tpu.vector_load %arg6[%swap3A_508] {strides = array<i32>} : memref<3200xi32, #tpu.memory_space<vmem>>, vector<16xi32>,
      tpu.vector_store %arg6[%swap3A_508], %broadcast_in_dim3A_507 {strides = array<i32>} : memref<3200xi32, #tpu.memory_space<vmem>>, vector<16xi32>,
      %broadcast_in_dim3A_510 = arith.constant 0 : i32
      %broadcast_in_dim3A_511 = vector.broadcast %broadcast_in_dim3A_510 : i32 to vector<16xi32>
      %swap3A_512 = arith.constant 6 : i32
      %swap3A_513 = arith.index_cast %swap3A_512 : i32 to index
      %swap3A_514 = arith.constant 96 : index
      %swap3A_515 = tpu.vector_load %arg8[%swap3A_513, %swap3A_514] {strides = array<i32>} : memref<25x128xi32, #tpu.memory_space<vmem>>, vector<16xi32>,
      tpu.vector_store %arg8[%swap3A_513, %swap3A_514], %broadcast_in_dim3A_511 {strides = array<i32>} : memref<25x128xi32, #tpu.memory_space<vmem>>, vector<16xi32>,
      %broadcast_in_dim3A_516 = arith.constant 96 : i32
      %broadcast_in_dim3A_517 = vector.broadcast %broadcast_in_dim3A_516 : i32 to vector<16xi32>
      %swap3A_518 = arith.constant 880 : index
      %swap3A_519 = tpu.vector_load %arg6[%swap3A_518] {strides = array<i32>} : memref<3200xi32, #tpu.memory_space<vmem>>, vector<16xi32>,
      tpu.vector_store %arg6[%swap3A_518], %broadcast_in_dim3A_517 {strides = array<i32>} : memref<3200xi32, #tpu.memory_space<vmem>>, vector<16xi32>,
      %broadcast_in_dim3A_520 = arith.constant 0 : i32
      %broadcast_in_dim3A_521 = vector.broadcast %broadcast_in_dim3A_520 : i32 to vector<16xi32>
      %swap3A_522 = arith.constant 6 : i32
      %swap3A_523 = arith.index_cast %swap3A_522 : i32 to index
      %swap3A_524 = arith.constant 112 : index
      %swap3A_525 = tpu.vector_load %arg8[%swap3A_523, %swap3A_524] {strides = array<i32>} : memref<25x128xi32, #tpu.memory_space<vmem>>, vector<16xi32>,
      tpu.vector_store %arg8[%swap3A_523, %swap3A_524], %broadcast_in_dim3A_521 {strides = array<i32>} : memref<25x128xi32, #tpu.memory_space<vmem>>, vector<16xi32>,
    } else {
    }
    %jit3A = arith.constant 7 : i32
    %jit3A_155 = arith.constant 25 : i32
    %select_n3A = arith.select %eq3A_1, %jit3A, %jit3A_155 : i32
    %iota3A = tpu.iota {dimensions = array<i32: 0>} : vector<16xi32>
    %jit3A_156 = arith.constant 8 : i32
    %eq3A_157 = arith.constant 0 : i32
    %eq3A_158 = arith.cmpi eq, %jit3A_156, %eq3A_157 : i32
    %jit3A_159 = arith.constant 1 : i32
    %select_n3A_160 = arith.select %eq3A_158, %jit3A_159, %jit3A_156 : i32
    %rem3A = vector.broadcast %select_n3A_160 : i32 to vector<16xi32>
    %rem3A_161 = arith.remsi %iota3A, %rem3A : vector<16xi32>
    %ne3A = arith.constant 0 : i32
    %ne3A_162 = vector.broadcast %ne3A : i32 to vector<16xi32>
    %ne3A_163 = arith.cmpi ne, %rem3A_161, %ne3A_162 : vector<16xi32>
    %lt3A = arith.constant 0 : i32
    %lt3A_164 = vector.broadcast %lt3A : i32 to vector<16xi32>
    %lt3A_165 = arith.cmpi slt, %rem3A_161, %lt3A_164 : vector<16xi32>
    %lt3A_166 = arith.constant 0 : i32
    %lt3A_167 = arith.cmpi slt, %select_n3A_160, %lt3A_166 : i32
    %ne3A_168 = vector.broadcast %lt3A_167 : i1 to vector<16xi1>
    %ne3A_169 = vector.broadcast %ne3A_168 : vector<16xi1> to vector<16xi1>
    %ne3A_170 = arith.xori %lt3A_165, %ne3A_169 : vector<16xi1>
    %and3A = arith.andi %ne3A_170, %ne3A_163 : vector<16xi1>
    %add3A_171 = vector.broadcast %select_n3A_160 : i32 to vector<16xi32>
    %add3A_172 = arith.addi %rem3A_161, %add3A_171 : vector<16xi32>
    %select_n3A_173 = arith.select %and3A, %add3A_172, %rem3A_161 : vector<16xi1>, vector<16xi32>
    %mul3A_174 = arith.constant 1024 : i32
    %mul3A_175 = vector.broadcast %mul3A_174 : i32 to vector<16xi32>
    %mul3A_176 = arith.muli %select_n3A_173, %mul3A_175 : vector<16xi32>
    %while3A = arith.constant 0 : i32
    %while3A_177 = arith.constant 0 : i32
    %while3A_178 = arith.subi %select_n3A, %while3A_177 : i32
    %while3A_179 = arith.addi %while3A_177, %while3A_178 : i32
    %while3A_180 = arith.constant 1 : i32
    %while3A_181 = arith.divsi %while3A_178, %while3A_180 : i32
    %while3A_182 = arith.muli %while3A_181, %while3A_180 : i32
    %while3A_183 = arith.addi %while3A_177, %while3A_182 : i32
    %while3A_184 = arith.constant 1 : i32
    scf.for %while3A_442 = %while3A_177 to %while3A_183 step %while3A_184  : i32 {
      %mul3A_443 = arith.constant 128 : i32
      %mul3A_444 = arith.muli %while3A_442, %mul3A_443 : i32
      %add3A_445 = arith.constant 0 : i32
      %add3A_446 = arith.addi %mul3A_444, %add3A_445 : i32
      %get3A_447 = arith.index_cast %while3A_442 : i32 to index
      %get3A_448 = arith.constant 0 : index
      %get3A_449 = tpu.vector_load %arg8[%get3A_447, %get3A_448] {strides = array<i32>} : memref<25x128xi32, #tpu.memory_space<vmem>>, vector<16xi32>,
      %add3A_450 = arith.addi %get3A_449, %mul3A_176 : vector<16xi32>
      %swap3A_451 = arith.index_cast %while3A_442 : i32 to index
      %swap3A_452 = arith.constant 0 : index
      %swap3A_453 = tpu.vector_load %arg8[%swap3A_451, %swap3A_452] {strides = array<i32>} : memref<25x128xi32, #tpu.memory_space<vmem>>, vector<16xi32>,
      tpu.vector_store %arg8[%swap3A_451, %swap3A_452], %add3A_450 {strides = array<i32>} : memref<25x128xi32, #tpu.memory_space<vmem>>, vector<16xi32>,
      %get3A_454 = arith.index_cast %add3A_446 : i32 to index
      %get3A_455 = tpu.vector_load %arg6[%get3A_454] {strides = array<i32>} : memref<3200xi32, #tpu.memory_space<vmem>>, vector<16xi32>,
      %gather3A = tpu.vector_load_idx %arg9[%get3A_455] : memref<128xf32, #tpu.memory_space<vmem>>[vector<16xi32>], vector<16xf32>,
      %swap3A_456 = arith.index_cast %add3A_446 : i32 to index
      %swap3A_457 = tpu.vector_load %arg7[%swap3A_456] {strides = array<i32>} : memref<3200xf32, #tpu.memory_space<vmem>>, vector<16xf32>,
      tpu.vector_store %arg7[%swap3A_456], %gather3A {strides = array<i32>} : memref<3200xf32, #tpu.memory_space<vmem>>, vector<16xf32>,
      %mul3A_458 = arith.constant 128 : i32
      %mul3A_459 = arith.muli %while3A_442, %mul3A_458 : i32
      %add3A_460 = arith.constant 16 : i32
      %add3A_461 = arith.addi %mul3A_459, %add3A_460 : i32
      %get3A_462 = arith.index_cast %while3A_442 : i32 to index
      %get3A_463 = arith.constant 16 : index
      %get3A_464 = tpu.vector_load %arg8[%get3A_462, %get3A_463] {strides = array<i32>} : memref<25x128xi32, #tpu.memory_space<vmem>>, vector<16xi32>,
      %add3A_465 = arith.addi %get3A_464, %mul3A_176 : vector<16xi32>
      %swap3A_466 = arith.index_cast %while3A_442 : i32 to index
      %swap3A_467 = arith.constant 16 : index
      %swap3A_468 = tpu.vector_load %arg8[%swap3A_466, %swap3A_467] {strides = array<i32>} : memref<25x128xi32, #tpu.memory_space<vmem>>, vector<16xi32>,
      tpu.vector_store %arg8[%swap3A_466, %swap3A_467], %add3A_465 {strides = array<i32>} : memref<25x128xi32, #tpu.memory_space<vmem>>, vector<16xi32>,
      %get3A_469 = arith.index_cast %add3A_461 : i32 to index
      %get3A_470 = tpu.vector_load %arg6[%get3A_469] {strides = array<i32>} : memref<3200xi32, #tpu.memory_space<vmem>>, vector<16xi32>,
      %gather3A_471 = tpu.vector_load_idx %arg9[%get3A_470] : memref<128xf32, #tpu.memory_space<vmem>>[vector<16xi32>], vector<16xf32>,
      %swap3A_472 = arith.index_cast %add3A_461 : i32 to index
      %swap3A_473 = tpu.vector_load %arg7[%swap3A_472] {strides = array<i32>} : memref<3200xf32, #tpu.memory_space<vmem>>, vector<16xf32>,
      tpu.vector_store %arg7[%swap3A_472], %gather3A_471 {strides = array<i32>} : memref<3200xf32, #tpu.memory_space<vmem>>, vector<16xf32>,
      %mul3A_474 = arith.constant 128 : i32
      %mul3A_475 = arith.muli %while3A_442, %mul3A_474 : i32
      %add3A_476 = arith.constant 32 : i32
      %add3A_477 = arith.addi %mul3A_475, %add3A_476 : i32
      %get3A_478 = arith.index_cast %while3A_442 : i32 to index
      %get3A_479 = arith.constant 32 : index
      %get3A_480 = tpu.vector_load %arg8[%get3A_478, %get3A_479] {strides = array<i32>} : memref<25x128xi32, #tpu.memory_space<vmem>>, vector<16xi32>,
      %add3A_481 = arith.addi %get3A_480, %mul3A_176 : vector<16xi32>
      %swap3A_482 = arith.index_cast %while3A_442 : i32 to index
      %swap3A_483 = arith.constant 32 : index
      %swap3A_484 = tpu.vector_load %arg8[%swap3A_482, %swap3A_483] {strides = array<i32>} : memref<25x128xi32, #tpu.memory_space<vmem>>, vector<16xi32>,
      tpu.vector_store %arg8[%swap3A_482, %swap3A_483], %add3A_481 {strides = array<i32>} : memref<25x128xi32, #tpu.memory_space<vmem>>, vector<16xi32>,
      %get3A_485 = arith.index_cast %add3A_477 : i32 to index
      %get3A_486 = tpu.vector_load %arg6[%get3A_485] {strides = array<i32>} : memref<3200xi32, #tpu.memory_space<vmem>>, vector<16xi32>,
      %gather3A_487 = tpu.vector_load_idx %arg9[%get3A_486] : memref<128xf32, #tpu.memory_space<vmem>>[vector<16xi32>], vector<16xf32>,
      %swap3A_488 = arith.index_cast %add3A_477 : i32 to index
      %swap3A_489 = tpu.vector_load %arg7[%swap3A_488] {strides = array<i32>} : memref<3200xf32, #tpu.memory_space<vmem>>, vector<16xf32>,
      tpu.vector_store %arg7[%swap3A_488], %gather3A_487 {strides = array<i32>} : memref<3200xf32, #tpu.memory_space<vmem>>, vector<16xf32>,
      %mul3A_490 = arith.constant 128 : i32
      %mul3A_491 = arith.muli %while3A_442, %mul3A_490 : i32
      %add3A_492 = arith.constant 48 : i32
      %add3A_493 = arith.addi %mul3A_491, %add3A_492 : i32
      %get3A_494 = arith.index_cast %while3A_442 : i32 to index
      %get3A_495 = arith.constant 48 : index
      %get3A_496 = tpu.vector_load %arg8[%get3A_494, %get3A_495] {strides = array<i32>} : memref<25x128xi32, #tpu.memory_space<vmem>>, vector<16xi32>,
      %add3A_497 = arith.addi %get3A_496, %mul3A_176 : vector<16xi32>
      %swap3A_498 = arith.index_cast %while3A_442 : i32 to index
      %swap3A_499 = arith.constant 48 : index
      %swap3A_500 = tpu.vector_load %arg8[%swap3A_498, %swap3A_499] {strides = array<i32>} : memref<25x128xi32, #tpu.memory_space<vmem>>, vector<16xi32>,
      tpu.vector_store %arg8[%swap3A_498, %swap3A_499], %add3A_497 {strides = array<i32>} : memref<25x128xi32, #tpu.memory_space<vmem>>, vector<16xi32>,
      %get3A_501 = arith.index_cast %add3A_493 : i32 to index
      %get3A_502 = tpu.vector_load %arg6[%get3A_501] {strides = array<i32>} : memref<3200xi32, #tpu.memory_space<vmem>>, vector<16xi32>,
      %gather3A_503 = tpu.vector_load_idx %arg9[%get3A_502] : memref<128xf32, #tpu.memory_space<vmem>>[vector<16xi32>], vector<16xf32>,
      %swap3A_504 = arith.index_cast %add3A_493 : i32 to index
      %swap3A_505 = tpu.vector_load %arg7[%swap3A_504] {strides = array<i32>} : memref<3200xf32, #tpu.memory_space<vmem>>, vector<16xf32>,
      tpu.vector_store %arg7[%swap3A_504], %gather3A_503 {strides = array<i32>} : memref<3200xf32, #tpu.memory_space<vmem>>, vector<16xf32>,
      %mul3A_506 = arith.constant 128 : i32
      %mul3A_507 = arith.muli %while3A_442, %mul3A_506 : i32
      %add3A_508 = arith.constant 64 : i32
      %add3A_509 = arith.addi %mul3A_507, %add3A_508 : i32
      %get3A_510 = arith.index_cast %while3A_442 : i32 to index
      %get3A_511 = arith.constant 64 : index
      %get3A_512 = tpu.vector_load %arg8[%get3A_510, %get3A_511] {strides = array<i32>} : memref<25x128xi32, #tpu.memory_space<vmem>>, vector<16xi32>,
      %add3A_513 = arith.addi %get3A_512, %mul3A_176 : vector<16xi32>
      %swap3A_514 = arith.index_cast %while3A_442 : i32 to index
      %swap3A_515 = arith.constant 64 : index
      %swap3A_516 = tpu.vector_load %arg8[%swap3A_514, %swap3A_515] {strides = array<i32>} : memref<25x128xi32, #tpu.memory_space<vmem>>, vector<16xi32>,
      tpu.vector_store %arg8[%swap3A_514, %swap3A_515], %add3A_513 {strides = array<i32>} : memref<25x128xi32, #tpu.memory_space<vmem>>, vector<16xi32>,
      %get3A_517 = arith.index_cast %add3A_509 : i32 to index
      %get3A_518 = tpu.vector_load %arg6[%get3A_517] {strides = array<i32>} : memref<3200xi32, #tpu.memory_space<vmem>>, vector<16xi32>,
      %gather3A_519 = tpu.vector_load_idx %arg9[%get3A_518] : memref<128xf32, #tpu.memory_space<vmem>>[vector<16xi32>], vector<16xf32>,
      %swap3A_520 = arith.index_cast %add3A_509 : i32 to index
      %swap3A_521 = tpu.vector_load %arg7[%swap3A_520] {strides = array<i32>} : memref<3200xf32, #tpu.memory_space<vmem>>, vector<16xf32>,
      tpu.vector_store %arg7[%swap3A_520], %gather3A_519 {strides = array<i32>} : memref<3200xf32, #tpu.memory_space<vmem>>, vector<16xf32>,
      %mul3A_522 = arith.constant 128 : i32
      %mul3A_523 = arith.muli %while3A_442, %mul3A_522 : i32
      %add3A_524 = arith.constant 80 : i32
      %add3A_525 = arith.addi %mul3A_523, %add3A_524 : i32
      %get3A_526 = arith.index_cast %while3A_442 : i32 to index
      %get3A_527 = arith.constant 80 : index
      %get3A_528 = tpu.vector_load %arg8[%get3A_526, %get3A_527] {strides = array<i32>} : memref<25x128xi32, #tpu.memory_space<vmem>>, vector<16xi32>,
      %add3A_529 = arith.addi %get3A_528, %mul3A_176 : vector<16xi32>
      %swap3A_530 = arith.index_cast %while3A_442 : i32 to index
      %swap3A_531 = arith.constant 80 : index
      %swap3A_532 = tpu.vector_load %arg8[%swap3A_530, %swap3A_531] {strides = array<i32>} : memref<25x128xi32, #tpu.memory_space<vmem>>, vector<16xi32>,
      tpu.vector_store %arg8[%swap3A_530, %swap3A_531], %add3A_529 {strides = array<i32>} : memref<25x128xi32, #tpu.memory_space<vmem>>, vector<16xi32>,
      %get3A_533 = arith.index_cast %add3A_525 : i32 to index
      %get3A_534 = tpu.vector_load %arg6[%get3A_533] {strides = array<i32>} : memref<3200xi32, #tpu.memory_space<vmem>>, vector<16xi32>,
      %gather3A_535 = tpu.vector_load_idx %arg9[%get3A_534] : memref<128xf32, #tpu.memory_space<vmem>>[vector<16xi32>], vector<16xf32>,
      %swap3A_536 = arith.index_cast %add3A_525 : i32 to index
      %swap3A_537 = tpu.vector_load %arg7[%swap3A_536] {strides = array<i32>} : memref<3200xf32, #tpu.memory_space<vmem>>, vector<16xf32>,
      tpu.vector_store %arg7[%swap3A_536], %gather3A_535 {strides = array<i32>} : memref<3200xf32, #tpu.memory_space<vmem>>, vector<16xf32>,
      %mul3A_538 = arith.constant 128 : i32
      %mul3A_539 = arith.muli %while3A_442, %mul3A_538 : i32
      %add3A_540 = arith.constant 96 : i32
      %add3A_541 = arith.addi %mul3A_539, %add3A_540 : i32
      %get3A_542 = arith.index_cast %while3A_442 : i32 to index
      %get3A_543 = arith.constant 96 : index
      %get3A_544 = tpu.vector_load %arg8[%get3A_542, %get3A_543] {strides = array<i32>} : memref<25x128xi32, #tpu.memory_space<vmem>>, vector<16xi32>,
      %add3A_545 = arith.addi %get3A_544, %mul3A_176 : vector<16xi32>
      %swap3A_546 = arith.index_cast %while3A_442 : i32 to index
      %swap3A_547 = arith.constant 96 : index
      %swap3A_548 = tpu.vector_load %arg8[%swap3A_546, %swap3A_547] {strides = array<i32>} : memref<25x128xi32, #tpu.memory_space<vmem>>, vector<16xi32>,
      tpu.vector_store %arg8[%swap3A_546, %swap3A_547], %add3A_545 {strides = array<i32>} : memref<25x128xi32, #tpu.memory_space<vmem>>, vector<16xi32>,
      %get3A_549 = arith.index_cast %add3A_541 : i32 to index
      %get3A_550 = tpu.vector_load %arg6[%get3A_549] {strides = array<i32>} : memref<3200xi32, #tpu.memory_space<vmem>>, vector<16xi32>,
      %gather3A_551 = tpu.vector_load_idx %arg9[%get3A_550] : memref<128xf32, #tpu.memory_space<vmem>>[vector<16xi32>], vector<16xf32>,
      %swap3A_552 = arith.index_cast %add3A_541 : i32 to index
      %swap3A_553 = tpu.vector_load %arg7[%swap3A_552] {strides = array<i32>} : memref<3200xf32, #tpu.memory_space<vmem>>, vector<16xf32>,
      tpu.vector_store %arg7[%swap3A_552], %gather3A_551 {strides = array<i32>} : memref<3200xf32, #tpu.memory_space<vmem>>, vector<16xf32>,
      %mul3A_554 = arith.constant 128 : i32
      %mul3A_555 = arith.muli %while3A_442, %mul3A_554 : i32
      %add3A_556 = arith.constant 112 : i32
      %add3A_557 = arith.addi %mul3A_555, %add3A_556 : i32
      %get3A_558 = arith.index_cast %while3A_442 : i32 to index
      %get3A_559 = arith.constant 112 : index
      %get3A_560 = tpu.vector_load %arg8[%get3A_558, %get3A_559] {strides = array<i32>} : memref<25x128xi32, #tpu.memory_space<vmem>>, vector<16xi32>,
      %add3A_561 = arith.addi %get3A_560, %mul3A_176 : vector<16xi32>
      %swap3A_562 = arith.index_cast %while3A_442 : i32 to index
      %swap3A_563 = arith.constant 112 : index
      %swap3A_564 = tpu.vector_load %arg8[%swap3A_562, %swap3A_563] {strides = array<i32>} : memref<25x128xi32, #tpu.memory_space<vmem>>, vector<16xi32>,
      tpu.vector_store %arg8[%swap3A_562, %swap3A_563], %add3A_561 {strides = array<i32>} : memref<25x128xi32, #tpu.memory_space<vmem>>, vector<16xi32>,
      %get3A_565 = arith.index_cast %add3A_557 : i32 to index
      %get3A_566 = tpu.vector_load %arg6[%get3A_565] {strides = array<i32>} : memref<3200xi32, #tpu.memory_space<vmem>>, vector<16xi32>,
      %gather3A_567 = tpu.vector_load_idx %arg9[%get3A_566] : memref<128xf32, #tpu.memory_space<vmem>>[vector<16xi32>], vector<16xf32>,
      %swap3A_568 = arith.index_cast %add3A_557 : i32 to index
      %swap3A_569 = tpu.vector_load %arg7[%swap3A_568] {strides = array<i32>} : memref<3200xf32, #tpu.memory_space<vmem>>, vector<16xf32>,
      tpu.vector_store %arg7[%swap3A_568], %gather3A_567 {strides = array<i32>} : memref<3200xf32, #tpu.memory_space<vmem>>, vector<16xf32>,
      %mul3A_570 = arith.constant 128 : i32
      %mul3A_571 = arith.muli %while3A_442, %mul3A_570 : i32
      %dma_start3A_572 = tpu.memref_slice %arg7[%mul3A_571] : memref<3200xf32, #tpu.memory_space<vmem>> -> memref<128xf32, #tpu.memory_space<vmem>>
      %dma_start3A_573 = arith.constant 0 : i32
      %dma_start3A_574 = tpu.memref_slice %arg8[%while3A_442, %dma_start3A_573] : memref<25x128xi32, #tpu.memory_space<vmem>> -> memref<1x128xi32, #tpu.memory_space<vmem>>
      %dma_start3A_575 = tpu.memref_squeeze %dma_start3A_574 : memref<1x128xi32, #tpu.memory_space<vmem>> -> memref<128xi32, #tpu.memory_space<vmem>>
      %dma_start3A_576 = arith.constant 0 : i32
      %dma_start3A_577 = tpu.memref_slice %arg13[%dma_start3A_576] : memref<8192xf32, #tpu.memory_space<vmem_shared>> -> memref<8192xf32, #tpu.memory_space<vmem_shared>>
      tpu.enqueue_indirect_dma source(%dma_start3A_572 : memref<128xf32, #tpu.memory_space<vmem>>) target(%dma_start3A_577 : memref<8192xf32, #tpu.memory_space<vmem_shared>>) offsets(%dma_start3A_575 : memref<128xi32, #tpu.memory_space<vmem>>) semaphore(%arg17 : memref<!tpu.dma_semaphore, #tpu.memory_space<semaphore_mem>>) {add = true}
    }
    %while3A_185 = arith.constant 1 : i32
    scf.for %while3A_442 = %while3A_183 to %while3A_179 step %while3A_185  : i32 {
      %mul3A_443 = arith.constant 128 : i32
      %mul3A_444 = arith.muli %while3A_442, %mul3A_443 : i32
      %add3A_445 = arith.constant 0 : i32
      %add3A_446 = arith.addi %mul3A_444, %add3A_445 : i32
      %get3A_447 = arith.index_cast %while3A_442 : i32 to index
      %get3A_448 = arith.constant 0 : index
      %get3A_449 = tpu.vector_load %arg8[%get3A_447, %get3A_448] {strides = array<i32>} : memref<25x128xi32, #tpu.memory_space<vmem>>, vector<16xi32>,
      %add3A_450 = arith.addi %get3A_449, %mul3A_176 : vector<16xi32>
      %swap3A_451 = arith.index_cast %while3A_442 : i32 to index
      %swap3A_452 = arith.constant 0 : index
      %swap3A_453 = tpu.vector_load %arg8[%swap3A_451, %swap3A_452] {strides = array<i32>} : memref<25x128xi32, #tpu.memory_space<vmem>>, vector<16xi32>,
      tpu.vector_store %arg8[%swap3A_451, %swap3A_452], %add3A_450 {strides = array<i32>} : memref<25x128xi32, #tpu.memory_space<vmem>>, vector<16xi32>,
      %get3A_454 = arith.index_cast %add3A_446 : i32 to index
      %get3A_455 = tpu.vector_load %arg6[%get3A_454] {strides = array<i32>} : memref<3200xi32, #tpu.memory_space<vmem>>, vector<16xi32>,
      %gather3A = tpu.vector_load_idx %arg9[%get3A_455] : memref<128xf32, #tpu.memory_space<vmem>>[vector<16xi32>], vector<16xf32>,
      %swap3A_456 = arith.index_cast %add3A_446 : i32 to index
      %swap3A_457 = tpu.vector_load %arg7[%swap3A_456] {strides = array<i32>} : memref<3200xf32, #tpu.memory_space<vmem>>, vector<16xf32>,
      tpu.vector_store %arg7[%swap3A_456], %gather3A {strides = array<i32>} : memref<3200xf32, #tpu.memory_space<vmem>>, vector<16xf32>,
      %mul3A_458 = arith.constant 128 : i32
      %mul3A_459 = arith.muli %while3A_442, %mul3A_458 : i32
      %add3A_460 = arith.constant 16 : i32
      %add3A_461 = arith.addi %mul3A_459, %add3A_460 : i32
      %get3A_462 = arith.index_cast %while3A_442 : i32 to index
      %get3A_463 = arith.constant 16 : index
      %get3A_464 = tpu.vector_load %arg8[%get3A_462, %get3A_463] {strides = array<i32>} : memref<25x128xi32, #tpu.memory_space<vmem>>, vector<16xi32>,
      %add3A_465 = arith.addi %get3A_464, %mul3A_176 : vector<16xi32>
      %swap3A_466 = arith.index_cast %while3A_442 : i32 to index
      %swap3A_467 = arith.constant 16 : index
      %swap3A_468 = tpu.vector_load %arg8[%swap3A_466, %swap3A_467] {strides = array<i32>} : memref<25x128xi32, #tpu.memory_space<vmem>>, vector<16xi32>,
      tpu.vector_store %arg8[%swap3A_466, %swap3A_467], %add3A_465 {strides = array<i32>} : memref<25x128xi32, #tpu.memory_space<vmem>>, vector<16xi32>,
      %get3A_469 = arith.index_cast %add3A_461 : i32 to index
      %get3A_470 = tpu.vector_load %arg6[%get3A_469] {strides = array<i32>} : memref<3200xi32, #tpu.memory_space<vmem>>, vector<16xi32>,
      %gather3A_471 = tpu.vector_load_idx %arg9[%get3A_470] : memref<128xf32, #tpu.memory_space<vmem>>[vector<16xi32>], vector<16xf32>,
      %swap3A_472 = arith.index_cast %add3A_461 : i32 to index
      %swap3A_473 = tpu.vector_load %arg7[%swap3A_472] {strides = array<i32>} : memref<3200xf32, #tpu.memory_space<vmem>>, vector<16xf32>,
      tpu.vector_store %arg7[%swap3A_472], %gather3A_471 {strides = array<i32>} : memref<3200xf32, #tpu.memory_space<vmem>>, vector<16xf32>,
      %mul3A_474 = arith.constant 128 : i32
      %mul3A_475 = arith.muli %while3A_442, %mul3A_474 : i32
      %add3A_476 = arith.constant 32 : i32
      %add3A_477 = arith.addi %mul3A_475, %add3A_476 : i32
      %get3A_478 = arith.index_cast %while3A_442 : i32 to index
      %get3A_479 = arith.constant 32 : index
      %get3A_480 = tpu.vector_load %arg8[%get3A_478, %get3A_479] {strides = array<i32>} : memref<25x128xi32, #tpu.memory_space<vmem>>, vector<16xi32>,
      %add3A_481 = arith.addi %get3A_480, %mul3A_176 : vector<16xi32>
      %swap3A_482 = arith.index_cast %while3A_442 : i32 to index
      %swap3A_483 = arith.constant 32 : index
      %swap3A_484 = tpu.vector_load %arg8[%swap3A_482, %swap3A_483] {strides = array<i32>} : memref<25x128xi32, #tpu.memory_space<vmem>>, vector<16xi32>,
      tpu.vector_store %arg8[%swap3A_482, %swap3A_483], %add3A_481 {strides = array<i32>} : memref<25x128xi32, #tpu.memory_space<vmem>>, vector<16xi32>,
      %get3A_485 = arith.index_cast %add3A_477 : i32 to index
      %get3A_486 = tpu.vector_load %arg6[%get3A_485] {strides = array<i32>} : memref<3200xi32, #tpu.memory_space<vmem>>, vector<16xi32>,
      %gather3A_487 = tpu.vector_load_idx %arg9[%get3A_486] : memref<128xf32, #tpu.memory_space<vmem>>[vector<16xi32>], vector<16xf32>,
      %swap3A_488 = arith.index_cast %add3A_477 : i32 to index
      %swap3A_489 = tpu.vector_load %arg7[%swap3A_488] {strides = array<i32>} : memref<3200xf32, #tpu.memory_space<vmem>>, vector<16xf32>,
      tpu.vector_store %arg7[%swap3A_488], %gather3A_487 {strides = array<i32>} : memref<3200xf32, #tpu.memory_space<vmem>>, vector<16xf32>,
      %mul3A_490 = arith.constant 128 : i32
      %mul3A_491 = arith.muli %while3A_442, %mul3A_490 : i32
      %add3A_492 = arith.constant 48 : i32
      %add3A_493 = arith.addi %mul3A_491, %add3A_492 : i32
      %get3A_494 = arith.index_cast %while3A_442 : i32 to index
      %get3A_495 = arith.constant 48 : index
      %get3A_496 = tpu.vector_load %arg8[%get3A_494, %get3A_495] {strides = array<i32>} : memref<25x128xi32, #tpu.memory_space<vmem>>, vector<16xi32>,
      %add3A_497 = arith.addi %get3A_496, %mul3A_176 : vector<16xi32>
      %swap3A_498 = arith.index_cast %while3A_442 : i32 to index
      %swap3A_499 = arith.constant 48 : index
      %swap3A_500 = tpu.vector_load %arg8[%swap3A_498, %swap3A_499] {strides = array<i32>} : memref<25x128xi32, #tpu.memory_space<vmem>>, vector<16xi32>,
      tpu.vector_store %arg8[%swap3A_498, %swap3A_499], %add3A_497 {strides = array<i32>} : memref<25x128xi32, #tpu.memory_space<vmem>>, vector<16xi32>,
      %get3A_501 = arith.index_cast %add3A_493 : i32 to index
      %get3A_502 = tpu.vector_load %arg6[%get3A_501] {strides = array<i32>} : memref<3200xi32, #tpu.memory_space<vmem>>, vector<16xi32>,
      %gather3A_503 = tpu.vector_load_idx %arg9[%get3A_502] : memref<128xf32, #tpu.memory_space<vmem>>[vector<16xi32>], vector<16xf32>,
      %swap3A_504 = arith.index_cast %add3A_493 : i32 to index
      %swap3A_505 = tpu.vector_load %arg7[%swap3A_504] {strides = array<i32>} : memref<3200xf32, #tpu.memory_space<vmem>>, vector<16xf32>,
      tpu.vector_store %arg7[%swap3A_504], %gather3A_503 {strides = array<i32>} : memref<3200xf32, #tpu.memory_space<vmem>>, vector<16xf32>,
      %mul3A_506 = arith.constant 128 : i32
      %mul3A_507 = arith.muli %while3A_442, %mul3A_506 : i32
      %add3A_508 = arith.constant 64 : i32
      %add3A_509 = arith.addi %mul3A_507, %add3A_508 : i32
      %get3A_510 = arith.index_cast %while3A_442 : i32 to index
      %get3A_511 = arith.constant 64 : index
      %get3A_512 = tpu.vector_load %arg8[%get3A_510, %get3A_511] {strides = array<i32>} : memref<25x128xi32, #tpu.memory_space<vmem>>, vector<16xi32>,
      %add3A_513 = arith.addi %get3A_512, %mul3A_176 : vector<16xi32>
      %swap3A_514 = arith.index_cast %while3A_442 : i32 to index
      %swap3A_515 = arith.constant 64 : index
      %swap3A_516 = tpu.vector_load %arg8[%swap3A_514, %swap3A_515] {strides = array<i32>} : memref<25x128xi32, #tpu.memory_space<vmem>>, vector<16xi32>,
      tpu.vector_store %arg8[%swap3A_514, %swap3A_515], %add3A_513 {strides = array<i32>} : memref<25x128xi32, #tpu.memory_space<vmem>>, vector<16xi32>,
      %get3A_517 = arith.index_cast %add3A_509 : i32 to index
      %get3A_518 = tpu.vector_load %arg6[%get3A_517] {strides = array<i32>} : memref<3200xi32, #tpu.memory_space<vmem>>, vector<16xi32>,
      %gather3A_519 = tpu.vector_load_idx %arg9[%get3A_518] : memref<128xf32, #tpu.memory_space<vmem>>[vector<16xi32>], vector<16xf32>,
      %swap3A_520 = arith.index_cast %add3A_509 : i32 to index
      %swap3A_521 = tpu.vector_load %arg7[%swap3A_520] {strides = array<i32>} : memref<3200xf32, #tpu.memory_space<vmem>>, vector<16xf32>,
      tpu.vector_store %arg7[%swap3A_520], %gather3A_519 {strides = array<i32>} : memref<3200xf32, #tpu.memory_space<vmem>>, vector<16xf32>,
      %mul3A_522 = arith.constant 128 : i32
      %mul3A_523 = arith.muli %while3A_442, %mul3A_522 : i32
      %add3A_524 = arith.constant 80 : i32
      %add3A_525 = arith.addi %mul3A_523, %add3A_524 : i32
      %get3A_526 = arith.index_cast %while3A_442 : i32 to index
      %get3A_527 = arith.constant 80 : index
      %get3A_528 = tpu.vector_load %arg8[%get3A_526, %get3A_527] {strides = array<i32>} : memref<25x128xi32, #tpu.memory_space<vmem>>, vector<16xi32>,
      %add3A_529 = arith.addi %get3A_528, %mul3A_176 : vector<16xi32>
      %swap3A_530 = arith.index_cast %while3A_442 : i32 to index
      %swap3A_531 = arith.constant 80 : index
      %swap3A_532 = tpu.vector_load %arg8[%swap3A_530, %swap3A_531] {strides = array<i32>} : memref<25x128xi32, #tpu.memory_space<vmem>>, vector<16xi32>,
      tpu.vector_store %arg8[%swap3A_530, %swap3A_531], %add3A_529 {strides = array<i32>} : memref<25x128xi32, #tpu.memory_space<vmem>>, vector<16xi32>,
      %get3A_533 = arith.index_cast %add3A_525 : i32 to index
      %get3A_534 = tpu.vector_load %arg6[%get3A_533] {strides = array<i32>} : memref<3200xi32, #tpu.memory_space<vmem>>, vector<16xi32>,
      %gather3A_535 = tpu.vector_load_idx %arg9[%get3A_534] : memref<128xf32, #tpu.memory_space<vmem>>[vector<16xi32>], vector<16xf32>,
      %swap3A_536 = arith.index_cast %add3A_525 : i32 to index
      %swap3A_537 = tpu.vector_load %arg7[%swap3A_536] {strides = array<i32>} : memref<3200xf32, #tpu.memory_space<vmem>>, vector<16xf32>,
      tpu.vector_store %arg7[%swap3A_536], %gather3A_535 {strides = array<i32>} : memref<3200xf32, #tpu.memory_space<vmem>>, vector<16xf32>,
      %mul3A_538 = arith.constant 128 : i32
      %mul3A_539 = arith.muli %while3A_442, %mul3A_538 : i32
      %add3A_540 = arith.constant 96 : i32
      %add3A_541 = arith.addi %mul3A_539, %add3A_540 : i32
      %get3A_542 = arith.index_cast %while3A_442 : i32 to index
      %get3A_543 = arith.constant 96 : index
      %get3A_544 = tpu.vector_load %arg8[%get3A_542, %get3A_543] {strides = array<i32>} : memref<25x128xi32, #tpu.memory_space<vmem>>, vector<16xi32>,
      %add3A_545 = arith.addi %get3A_544, %mul3A_176 : vector<16xi32>
      %swap3A_546 = arith.index_cast %while3A_442 : i32 to index
      %swap3A_547 = arith.constant 96 : index
      %swap3A_548 = tpu.vector_load %arg8[%swap3A_546, %swap3A_547] {strides = array<i32>} : memref<25x128xi32, #tpu.memory_space<vmem>>, vector<16xi32>,
      tpu.vector_store %arg8[%swap3A_546, %swap3A_547], %add3A_545 {strides = array<i32>} : memref<25x128xi32, #tpu.memory_space<vmem>>, vector<16xi32>,
      %get3A_549 = arith.index_cast %add3A_541 : i32 to index
      %get3A_550 = tpu.vector_load %arg6[%get3A_549] {strides = array<i32>} : memref<3200xi32, #tpu.memory_space<vmem>>, vector<16xi32>,
      %gather3A_551 = tpu.vector_load_idx %arg9[%get3A_550] : memref<128xf32, #tpu.memory_space<vmem>>[vector<16xi32>], vector<16xf32>,
      %swap3A_552 = arith.index_cast %add3A_541 : i32 to index
      %swap3A_553 = tpu.vector_load %arg7[%swap3A_552] {strides = array<i32>} : memref<3200xf32, #tpu.memory_space<vmem>>, vector<16xf32>,
      tpu.vector_store %arg7[%swap3A_552], %gather3A_551 {strides = array<i32>} : memref<3200xf32, #tpu.memory_space<vmem>>, vector<16xf32>,
      %mul3A_554 = arith.constant 128 : i32
      %mul3A_555 = arith.muli %while3A_442, %mul3A_554 : i32
      %add3A_556 = arith.constant 112 : i32
      %add3A_557 = arith.addi %mul3A_555, %add3A_556 : i32
      %get3A_558 = arith.index_cast %while3A_442 : i32 to index
      %get3A_559 = arith.constant 112 : index
      %get3A_560 = tpu.vector_load %arg8[%get3A_558, %get3A_559] {strides = array<i32>} : memref<25x128xi32, #tpu.memory_space<vmem>>, vector<16xi32>,
      %add3A_561 = arith.addi %get3A_560, %mul3A_176 : vector<16xi32>
      %swap3A_562 = arith.index_cast %while3A_442 : i32 to index
      %swap3A_563 = arith.constant 112 : index
      %swap3A_564 = tpu.vector_load %arg8[%swap3A_562, %swap3A_563] {strides = array<i32>} : memref<25x128xi32, #tpu.memory_space<vmem>>, vector<16xi32>,
      tpu.vector_store %arg8[%swap3A_562, %swap3A_563], %add3A_561 {strides = array<i32>} : memref<25x128xi32, #tpu.memory_space<vmem>>, vector<16xi32>,
      %get3A_565 = arith.index_cast %add3A_557 : i32 to index
      %get3A_566 = tpu.vector_load %arg6[%get3A_565] {strides = array<i32>} : memref<3200xi32, #tpu.memory_space<vmem>>, vector<16xi32>,
      %gather3A_567 = tpu.vector_load_idx %arg9[%get3A_566] : memref<128xf32, #tpu.memory_space<vmem>>[vector<16xi32>], vector<16xf32>,
      %swap3A_568 = arith.index_cast %add3A_557 : i32 to index
      %swap3A_569 = tpu.vector_load %arg7[%swap3A_568] {strides = array<i32>} : memref<3200xf32, #tpu.memory_space<vmem>>, vector<16xf32>,
      tpu.vector_store %arg7[%swap3A_568], %gather3A_567 {strides = array<i32>} : memref<3200xf32, #tpu.memory_space<vmem>>, vector<16xf32>,
      %mul3A_570 = arith.constant 128 : i32
      %mul3A_571 = arith.muli %while3A_442, %mul3A_570 : i32
      %dma_start3A_572 = tpu.memref_slice %arg7[%mul3A_571] : memref<3200xf32, #tpu.memory_space<vmem>> -> memref<128xf32, #tpu.memory_space<vmem>>
      %dma_start3A_573 = arith.constant 0 : i32
      %dma_start3A_574 = tpu.memref_slice %arg8[%while3A_442, %dma_start3A_573] : memref<25x128xi32, #tpu.memory_space<vmem>> -> memref<1x128xi32, #tpu.memory_space<vmem>>
      %dma_start3A_575 = tpu.memref_squeeze %dma_start3A_574 : memref<1x128xi32, #tpu.memory_space<vmem>> -> memref<128xi32, #tpu.memory_space<vmem>>
      %dma_start3A_576 = arith.constant 0 : i32
      %dma_start3A_577 = tpu.memref_slice %arg13[%dma_start3A_576] : memref<8192xf32, #tpu.memory_space<vmem_shared>> -> memref<8192xf32, #tpu.memory_space<vmem_shared>>
      tpu.enqueue_indirect_dma source(%dma_start3A_572 : memref<128xf32, #tpu.memory_space<vmem>>) target(%dma_start3A_577 : memref<8192xf32, #tpu.memory_space<vmem_shared>>) offsets(%dma_start3A_575 : memref<128xi32, #tpu.memory_space<vmem>>) semaphore(%arg17 : memref<!tpu.dma_semaphore, #tpu.memory_space<semaphore_mem>>) {add = true}
    }
    %while3A_186 = arith.constant 0 : i32
    %while3A_187 = arith.constant 0 : i32
    %while3A_188 = arith.subi %select_n3A, %while3A_187 : i32
    %while3A_189 = arith.addi %while3A_187, %while3A_188 : i32
    %while3A_190 = arith.constant 1 : i32
    %while3A_191 = arith.divsi %while3A_188, %while3A_190 : i32
    %while3A_192 = arith.muli %while3A_191, %while3A_190 : i32
    %while3A_193 = arith.addi %while3A_187, %while3A_192 : i32
    %while3A_194 = arith.constant 1 : i32
    scf.for %while3A_442 = %while3A_187 to %while3A_193 step %while3A_194  : i32 {
      %dma_wait3A_443 = arith.constant 0 : i32
      %dma_wait3A_444 = arith.constant 0 : i32
      %dma_wait3A_445 = tpu.memref_slice %arg7[%dma_wait3A_444] : memref<3200xf32, #tpu.memory_space<vmem>> -> memref<128xf32, #tpu.memory_space<vmem>>
      %dma_wait3A_446 = arith.constant 0 : i32
      %dma_wait3A_447 = tpu.memref_slice %arg8[%dma_wait3A_443, %dma_wait3A_446] : memref<25x128xi32, #tpu.memory_space<vmem>> -> memref<1x128xi32, #tpu.memory_space<vmem>>
      %dma_wait3A_448 = tpu.memref_squeeze %dma_wait3A_447 : memref<1x128xi32, #tpu.memory_space<vmem>> -> memref<128xi32, #tpu.memory_space<vmem>>
      %dma_wait3A_449 = arith.constant 0 : i32
      %dma_wait3A_450 = tpu.memref_slice %arg13[%dma_wait3A_449] : memref<8192xf32, #tpu.memory_space<vmem_shared>> -> memref<8192xf32, #tpu.memory_space<vmem_shared>>
      tpu.wait_indirect_dma semaphore(%arg17 : memref<!tpu.dma_semaphore, #tpu.memory_space<semaphore_mem>>) src(%dma_wait3A_445 : memref<128xf32, #tpu.memory_space<vmem>>) dst(%dma_wait3A_450 : memref<8192xf32, #tpu.memory_space<vmem_shared>>)
    }
    %while3A_195 = arith.constant 1 : i32
    scf.for %while3A_442 = %while3A_193 to %while3A_189 step %while3A_195  : i32 {
      %dma_wait3A_443 = arith.constant 0 : i32
      %dma_wait3A_444 = arith.constant 0 : i32
      %dma_wait3A_445 = tpu.memref_slice %arg7[%dma_wait3A_444] : memref<3200xf32, #tpu.memory_space<vmem>> -> memref<128xf32, #tpu.memory_space<vmem>>
      %dma_wait3A_446 = arith.constant 0 : i32
      %dma_wait3A_447 = tpu.memref_slice %arg8[%dma_wait3A_443, %dma_wait3A_446] : memref<25x128xi32, #tpu.memory_space<vmem>> -> memref<1x128xi32, #tpu.memory_space<vmem>>
      %dma_wait3A_448 = tpu.memref_squeeze %dma_wait3A_447 : memref<1x128xi32, #tpu.memory_space<vmem>> -> memref<128xi32, #tpu.memory_space<vmem>>
      %dma_wait3A_449 = arith.constant 0 : i32
      %dma_wait3A_450 = tpu.memref_slice %arg13[%dma_wait3A_449] : memref<8192xf32, #tpu.memory_space<vmem_shared>> -> memref<8192xf32, #tpu.memory_space<vmem_shared>>
      tpu.wait_indirect_dma semaphore(%arg17 : memref<!tpu.dma_semaphore, #tpu.memory_space<semaphore_mem>>) src(%dma_wait3A_445 : memref<128xf32, #tpu.memory_space<vmem>>) dst(%dma_wait3A_450 : memref<8192xf32, #tpu.memory_space<vmem_shared>>)
    }
    %barrier3A_196 = arith.constant 0 : index
    tpu.barrier barrier_id(%barrier3A_196)
    %mul3A_197 = arith.constant 64 : i32
    %mul3A_198 = arith.muli %arg1, %mul3A_197 : i32
    %add3A_199 = arith.constant 0 : i32
    %add3A_200 = arith.addi %add3A_199, %mul3A_198 : i32
    %dma_start3A_201 = arith.constant 0 : i32
    %dma_start3A_202 = tpu.memref_slice %arg11[%dma_start3A_201] : memref<512xf32, #tpu.memory_space<vmem>> -> memref<64xf32, #tpu.memory_space<vmem>>
    %dma_start3A_203 = tpu.memref_slice %arg13[%add3A_200] : memref<8192xf32, #tpu.memory_space<vmem_shared>> -> memref<64xf32, #tpu.memory_space<vmem_shared>>
    %dma_start3A_204 = arith.constant 0 : i32
    %dma_start3A_205 = tpu.memref_slice %arg11[%dma_start3A_204] : memref<512xf32, #tpu.memory_space<vmem>> -> memref<64xf32, #tpu.memory_space<vmem>>
    %dma_start3A_206 = tpu.memref_slice %arg13[%add3A_200] : memref<8192xf32, #tpu.memory_space<vmem_shared>> -> memref<64xf32, #tpu.memory_space<vmem_shared>>
    tpu.enqueue_dma source(%dma_start3A_206 : memref<64xf32, #tpu.memory_space<vmem_shared>>) target(%dma_start3A_205 : memref<64xf32, #tpu.memory_space<vmem>>) target_semaphore(%arg18 : memref<!tpu.dma_semaphore, #tpu.memory_space<semaphore_mem>>)
    %mul3A_207 = arith.constant 64 : i32
    %mul3A_208 = arith.muli %arg1, %mul3A_207 : i32
    %add3A_209 = arith.constant 1024 : i32
    %add3A_210 = arith.addi %add3A_209, %mul3A_208 : i32
    %dma_start3A_211 = arith.constant 64 : i32
    %dma_start3A_212 = tpu.memref_slice %arg11[%dma_start3A_211] : memref<512xf32, #tpu.memory_space<vmem>> -> memref<64xf32, #tpu.memory_space<vmem>>
    %dma_start3A_213 = tpu.memref_slice %arg13[%add3A_210] : memref<8192xf32, #tpu.memory_space<vmem_shared>> -> memref<64xf32, #tpu.memory_space<vmem_shared>>
    %dma_start3A_214 = arith.constant 64 : i32
    %dma_start3A_215 = tpu.memref_slice %arg11[%dma_start3A_214] : memref<512xf32, #tpu.memory_space<vmem>> -> memref<64xf32, #tpu.memory_space<vmem>>
    %dma_start3A_216 = tpu.memref_slice %arg13[%add3A_210] : memref<8192xf32, #tpu.memory_space<vmem_shared>> -> memref<64xf32, #tpu.memory_space<vmem_shared>>
    tpu.enqueue_dma source(%dma_start3A_216 : memref<64xf32, #tpu.memory_space<vmem_shared>>) target(%dma_start3A_215 : memref<64xf32, #tpu.memory_space<vmem>>) target_semaphore(%arg18 : memref<!tpu.dma_semaphore, #tpu.memory_space<semaphore_mem>>)
    %mul3A_217 = arith.constant 64 : i32
    %mul3A_218 = arith.muli %arg1, %mul3A_217 : i32
    %add3A_219 = arith.constant 2048 : i32
    %add3A_220 = arith.addi %add3A_219, %mul3A_218 : i32
    %dma_start3A_221 = arith.constant 128 : i32
    %dma_start3A_222 = tpu.memref_slice %arg11[%dma_start3A_221] : memref<512xf32, #tpu.memory_space<vmem>> -> memref<64xf32, #tpu.memory_space<vmem>>
    %dma_start3A_223 = tpu.memref_slice %arg13[%add3A_220] : memref<8192xf32, #tpu.memory_space<vmem_shared>> -> memref<64xf32, #tpu.memory_space<vmem_shared>>
    %dma_start3A_224 = arith.constant 128 : i32
    %dma_start3A_225 = tpu.memref_slice %arg11[%dma_start3A_224] : memref<512xf32, #tpu.memory_space<vmem>> -> memref<64xf32, #tpu.memory_space<vmem>>
    %dma_start3A_226 = tpu.memref_slice %arg13[%add3A_220] : memref<8192xf32, #tpu.memory_space<vmem_shared>> -> memref<64xf32, #tpu.memory_space<vmem_shared>>
    tpu.enqueue_dma source(%dma_start3A_226 : memref<64xf32, #tpu.memory_space<vmem_shared>>) target(%dma_start3A_225 : memref<64xf32, #tpu.memory_space<vmem>>) target_semaphore(%arg18 : memref<!tpu.dma_semaphore, #tpu.memory_space<semaphore_mem>>)
    %mul3A_227 = arith.constant 64 : i32
    %mul3A_228 = arith.muli %arg1, %mul3A_227 : i32
    %add3A_229 = arith.constant 3072 : i32
    %add3A_230 = arith.addi %add3A_229, %mul3A_228 : i32
    %dma_start3A_231 = arith.constant 192 : i32
    %dma_start3A_232 = tpu.memref_slice %arg11[%dma_start3A_231] : memref<512xf32, #tpu.memory_space<vmem>> -> memref<64xf32, #tpu.memory_space<vmem>>
    %dma_start3A_233 = tpu.memref_slice %arg13[%add3A_230] : memref<8192xf32, #tpu.memory_space<vmem_shared>> -> memref<64xf32, #tpu.memory_space<vmem_shared>>
    %dma_start3A_234 = arith.constant 192 : i32
    %dma_start3A_235 = tpu.memref_slice %arg11[%dma_start3A_234] : memref<512xf32, #tpu.memory_space<vmem>> -> memref<64xf32, #tpu.memory_space<vmem>>
    %dma_start3A_236 = tpu.memref_slice %arg13[%add3A_230] : memref<8192xf32, #tpu.memory_space<vmem_shared>> -> memref<64xf32, #tpu.memory_space<vmem_shared>>
    tpu.enqueue_dma source(%dma_start3A_236 : memref<64xf32, #tpu.memory_space<vmem_shared>>) target(%dma_start3A_235 : memref<64xf32, #tpu.memory_space<vmem>>) target_semaphore(%arg18 : memref<!tpu.dma_semaphore, #tpu.memory_space<semaphore_mem>>)
    %mul3A_237 = arith.constant 64 : i32
    %mul3A_238 = arith.muli %arg1, %mul3A_237 : i32
    %add3A_239 = arith.constant 4096 : i32
    %add3A_240 = arith.addi %add3A_239, %mul3A_238 : i32
    %dma_start3A_241 = arith.constant 256 : i32
    %dma_start3A_242 = tpu.memref_slice %arg11[%dma_start3A_241] : memref<512xf32, #tpu.memory_space<vmem>> -> memref<64xf32, #tpu.memory_space<vmem>>
    %dma_start3A_243 = tpu.memref_slice %arg13[%add3A_240] : memref<8192xf32, #tpu.memory_space<vmem_shared>> -> memref<64xf32, #tpu.memory_space<vmem_shared>>
    %dma_start3A_244 = arith.constant 256 : i32
    %dma_start3A_245 = tpu.memref_slice %arg11[%dma_start3A_244] : memref<512xf32, #tpu.memory_space<vmem>> -> memref<64xf32, #tpu.memory_space<vmem>>
    %dma_start3A_246 = tpu.memref_slice %arg13[%add3A_240] : memref<8192xf32, #tpu.memory_space<vmem_shared>> -> memref<64xf32, #tpu.memory_space<vmem_shared>>
    tpu.enqueue_dma source(%dma_start3A_246 : memref<64xf32, #tpu.memory_space<vmem_shared>>) target(%dma_start3A_245 : memref<64xf32, #tpu.memory_space<vmem>>) target_semaphore(%arg18 : memref<!tpu.dma_semaphore, #tpu.memory_space<semaphore_mem>>)
    %mul3A_247 = arith.constant 64 : i32
    %mul3A_248 = arith.muli %arg1, %mul3A_247 : i32
    %add3A_249 = arith.constant 5120 : i32
    %add3A_250 = arith.addi %add3A_249, %mul3A_248 : i32
    %dma_start3A_251 = arith.constant 320 : i32
    %dma_start3A_252 = tpu.memref_slice %arg11[%dma_start3A_251] : memref<512xf32, #tpu.memory_space<vmem>> -> memref<64xf32, #tpu.memory_space<vmem>>
    %dma_start3A_253 = tpu.memref_slice %arg13[%add3A_250] : memref<8192xf32, #tpu.memory_space<vmem_shared>> -> memref<64xf32, #tpu.memory_space<vmem_shared>>
    %dma_start3A_254 = arith.constant 320 : i32
    %dma_start3A_255 = tpu.memref_slice %arg11[%dma_start3A_254] : memref<512xf32, #tpu.memory_space<vmem>> -> memref<64xf32, #tpu.memory_space<vmem>>
    %dma_start3A_256 = tpu.memref_slice %arg13[%add3A_250] : memref<8192xf32, #tpu.memory_space<vmem_shared>> -> memref<64xf32, #tpu.memory_space<vmem_shared>>
    tpu.enqueue_dma source(%dma_start3A_256 : memref<64xf32, #tpu.memory_space<vmem_shared>>) target(%dma_start3A_255 : memref<64xf32, #tpu.memory_space<vmem>>) target_semaphore(%arg18 : memref<!tpu.dma_semaphore, #tpu.memory_space<semaphore_mem>>)
    %mul3A_257 = arith.constant 64 : i32
    %mul3A_258 = arith.muli %arg1, %mul3A_257 : i32
    %add3A_259 = arith.constant 6144 : i32
    %add3A_260 = arith.addi %add3A_259, %mul3A_258 : i32
    %dma_start3A_261 = arith.constant 384 : i32
    %dma_start3A_262 = tpu.memref_slice %arg11[%dma_start3A_261] : memref<512xf32, #tpu.memory_space<vmem>> -> memref<64xf32, #tpu.memory_space<vmem>>
    %dma_start3A_263 = tpu.memref_slice %arg13[%add3A_260] : memref<8192xf32, #tpu.memory_space<vmem_shared>> -> memref<64xf32, #tpu.memory_space<vmem_shared>>
    %dma_start3A_264 = arith.constant 384 : i32
    %dma_start3A_265 = tpu.memref_slice %arg11[%dma_start3A_264] : memref<512xf32, #tpu.memory_space<vmem>> -> memref<64xf32, #tpu.memory_space<vmem>>
    %dma_start3A_266 = tpu.memref_slice %arg13[%add3A_260] : memref<8192xf32, #tpu.memory_space<vmem_shared>> -> memref<64xf32, #tpu.memory_space<vmem_shared>>
    tpu.enqueue_dma source(%dma_start3A_266 : memref<64xf32, #tpu.memory_space<vmem_shared>>) target(%dma_start3A_265 : memref<64xf32, #tpu.memory_space<vmem>>) target_semaphore(%arg18 : memref<!tpu.dma_semaphore, #tpu.memory_space<semaphore_mem>>)
    %mul3A_267 = arith.constant 64 : i32
    %mul3A_268 = arith.muli %arg1, %mul3A_267 : i32
    %add3A_269 = arith.constant 7168 : i32
    %add3A_270 = arith.addi %add3A_269, %mul3A_268 : i32
    %dma_start3A_271 = arith.constant 448 : i32
    %dma_start3A_272 = tpu.memref_slice %arg11[%dma_start3A_271] : memref<512xf32, #tpu.memory_space<vmem>> -> memref<64xf32, #tpu.memory_space<vmem>>
    %dma_start3A_273 = tpu.memref_slice %arg13[%add3A_270] : memref<8192xf32, #tpu.memory_space<vmem_shared>> -> memref<64xf32, #tpu.memory_space<vmem_shared>>
    %dma_start3A_274 = arith.constant 448 : i32
    %dma_start3A_275 = tpu.memref_slice %arg11[%dma_start3A_274] : memref<512xf32, #tpu.memory_space<vmem>> -> memref<64xf32, #tpu.memory_space<vmem>>
    %dma_start3A_276 = tpu.memref_slice %arg13[%add3A_270] : memref<8192xf32, #tpu.memory_space<vmem_shared>> -> memref<64xf32, #tpu.memory_space<vmem_shared>>
    tpu.enqueue_dma source(%dma_start3A_276 : memref<64xf32, #tpu.memory_space<vmem_shared>>) target(%dma_start3A_275 : memref<64xf32, #tpu.memory_space<vmem>>) target_semaphore(%arg18 : memref<!tpu.dma_semaphore, #tpu.memory_space<semaphore_mem>>)
    %dma_wait3A_277 = arith.constant 0 : i32
    %dma_wait3A_278 = tpu.memref_slice %arg11[%dma_wait3A_277] : memref<512xf32, #tpu.memory_space<vmem>> -> memref<64xf32, #tpu.memory_space<vmem>>
    %dma_wait3A_279 = arith.constant 0 : i32
    %dma_wait3A_280 = tpu.memref_slice %arg13[%dma_wait3A_279] : memref<8192xf32, #tpu.memory_space<vmem_shared>> -> memref<64xf32, #tpu.memory_space<vmem_shared>>
    %dma_wait3A_281 = arith.constant 0 : i32
    %dma_wait3A_282 = tpu.memref_slice %arg11[%dma_wait3A_281] : memref<512xf32, #tpu.memory_space<vmem>> -> memref<64xf32, #tpu.memory_space<vmem>>
    %dma_wait3A_283 = arith.constant 0 : i32
    %dma_wait3A_284 = tpu.memref_slice %arg13[%dma_wait3A_283] : memref<8192xf32, #tpu.memory_space<vmem_shared>> -> memref<64xf32, #tpu.memory_space<vmem_shared>>
    tpu.wait_dma2 semaphore(%arg18 : memref<!tpu.dma_semaphore, #tpu.memory_space<semaphore_mem>>) src(%dma_wait3A_284 : memref<64xf32, #tpu.memory_space<vmem_shared>>) dst(%dma_wait3A_282 : memref<64xf32, #tpu.memory_space<vmem>>)
    %dma_wait3A_285 = arith.constant 0 : i32
    %dma_wait3A_286 = tpu.memref_slice %arg11[%dma_wait3A_285] : memref<512xf32, #tpu.memory_space<vmem>> -> memref<64xf32, #tpu.memory_space<vmem>>
    %dma_wait3A_287 = arith.constant 0 : i32
    %dma_wait3A_288 = tpu.memref_slice %arg13[%dma_wait3A_287] : memref<8192xf32, #tpu.memory_space<vmem_shared>> -> memref<64xf32, #tpu.memory_space<vmem_shared>>
    %dma_wait3A_289 = arith.constant 0 : i32
    %dma_wait3A_290 = tpu.memref_slice %arg11[%dma_wait3A_289] : memref<512xf32, #tpu.memory_space<vmem>> -> memref<64xf32, #tpu.memory_space<vmem>>
    %dma_wait3A_291 = arith.constant 0 : i32
    %dma_wait3A_292 = tpu.memref_slice %arg13[%dma_wait3A_291] : memref<8192xf32, #tpu.memory_space<vmem_shared>> -> memref<64xf32, #tpu.memory_space<vmem_shared>>
    tpu.wait_dma2 semaphore(%arg18 : memref<!tpu.dma_semaphore, #tpu.memory_space<semaphore_mem>>) src(%dma_wait3A_292 : memref<64xf32, #tpu.memory_space<vmem_shared>>) dst(%dma_wait3A_290 : memref<64xf32, #tpu.memory_space<vmem>>)
    %dma_wait3A_293 = arith.constant 0 : i32
    %dma_wait3A_294 = tpu.memref_slice %arg11[%dma_wait3A_293] : memref<512xf32, #tpu.memory_space<vmem>> -> memref<64xf32, #tpu.memory_space<vmem>>
    %dma_wait3A_295 = arith.constant 0 : i32
    %dma_wait3A_296 = tpu.memref_slice %arg13[%dma_wait3A_295] : memref<8192xf32, #tpu.memory_space<vmem_shared>> -> memref<64xf32, #tpu.memory_space<vmem_shared>>
    %dma_wait3A_297 = arith.constant 0 : i32
    %dma_wait3A_298 = tpu.memref_slice %arg11[%dma_wait3A_297] : memref<512xf32, #tpu.memory_space<vmem>> -> memref<64xf32, #tpu.memory_space<vmem>>
    %dma_wait3A_299 = arith.constant 0 : i32
    %dma_wait3A_300 = tpu.memref_slice %arg13[%dma_wait3A_299] : memref<8192xf32, #tpu.memory_space<vmem_shared>> -> memref<64xf32, #tpu.memory_space<vmem_shared>>
    tpu.wait_dma2 semaphore(%arg18 : memref<!tpu.dma_semaphore, #tpu.memory_space<semaphore_mem>>) src(%dma_wait3A_300 : memref<64xf32, #tpu.memory_space<vmem_shared>>) dst(%dma_wait3A_298 : memref<64xf32, #tpu.memory_space<vmem>>)
    %dma_wait3A_301 = arith.constant 0 : i32
    %dma_wait3A_302 = tpu.memref_slice %arg11[%dma_wait3A_301] : memref<512xf32, #tpu.memory_space<vmem>> -> memref<64xf32, #tpu.memory_space<vmem>>
    %dma_wait3A_303 = arith.constant 0 : i32
    %dma_wait3A_304 = tpu.memref_slice %arg13[%dma_wait3A_303] : memref<8192xf32, #tpu.memory_space<vmem_shared>> -> memref<64xf32, #tpu.memory_space<vmem_shared>>
    %dma_wait3A_305 = arith.constant 0 : i32
    %dma_wait3A_306 = tpu.memref_slice %arg11[%dma_wait3A_305] : memref<512xf32, #tpu.memory_space<vmem>> -> memref<64xf32, #tpu.memory_space<vmem>>
    %dma_wait3A_307 = arith.constant 0 : i32
    %dma_wait3A_308 = tpu.memref_slice %arg13[%dma_wait3A_307] : memref<8192xf32, #tpu.memory_space<vmem_shared>> -> memref<64xf32, #tpu.memory_space<vmem_shared>>
    tpu.wait_dma2 semaphore(%arg18 : memref<!tpu.dma_semaphore, #tpu.memory_space<semaphore_mem>>) src(%dma_wait3A_308 : memref<64xf32, #tpu.memory_space<vmem_shared>>) dst(%dma_wait3A_306 : memref<64xf32, #tpu.memory_space<vmem>>)
    %dma_wait3A_309 = arith.constant 0 : i32
    %dma_wait3A_310 = tpu.memref_slice %arg11[%dma_wait3A_309] : memref<512xf32, #tpu.memory_space<vmem>> -> memref<64xf32, #tpu.memory_space<vmem>>
    %dma_wait3A_311 = arith.constant 0 : i32
    %dma_wait3A_312 = tpu.memref_slice %arg13[%dma_wait3A_311] : memref<8192xf32, #tpu.memory_space<vmem_shared>> -> memref<64xf32, #tpu.memory_space<vmem_shared>>
    %dma_wait3A_313 = arith.constant 0 : i32
    %dma_wait3A_314 = tpu.memref_slice %arg11[%dma_wait3A_313] : memref<512xf32, #tpu.memory_space<vmem>> -> memref<64xf32, #tpu.memory_space<vmem>>
    %dma_wait3A_315 = arith.constant 0 : i32
    %dma_wait3A_316 = tpu.memref_slice %arg13[%dma_wait3A_315] : memref<8192xf32, #tpu.memory_space<vmem_shared>> -> memref<64xf32, #tpu.memory_space<vmem_shared>>
    tpu.wait_dma2 semaphore(%arg18 : memref<!tpu.dma_semaphore, #tpu.memory_space<semaphore_mem>>) src(%dma_wait3A_316 : memref<64xf32, #tpu.memory_space<vmem_shared>>) dst(%dma_wait3A_314 : memref<64xf32, #tpu.memory_space<vmem>>)
    %dma_wait3A_317 = arith.constant 0 : i32
    %dma_wait3A_318 = tpu.memref_slice %arg11[%dma_wait3A_317] : memref<512xf32, #tpu.memory_space<vmem>> -> memref<64xf32, #tpu.memory_space<vmem>>
    %dma_wait3A_319 = arith.constant 0 : i32
    %dma_wait3A_320 = tpu.memref_slice %arg13[%dma_wait3A_319] : memref<8192xf32, #tpu.memory_space<vmem_shared>> -> memref<64xf32, #tpu.memory_space<vmem_shared>>
    %dma_wait3A_321 = arith.constant 0 : i32
    %dma_wait3A_322 = tpu.memref_slice %arg11[%dma_wait3A_321] : memref<512xf32, #tpu.memory_space<vmem>> -> memref<64xf32, #tpu.memory_space<vmem>>
    %dma_wait3A_323 = arith.constant 0 : i32
    %dma_wait3A_324 = tpu.memref_slice %arg13[%dma_wait3A_323] : memref<8192xf32, #tpu.memory_space<vmem_shared>> -> memref<64xf32, #tpu.memory_space<vmem_shared>>
    tpu.wait_dma2 semaphore(%arg18 : memref<!tpu.dma_semaphore, #tpu.memory_space<semaphore_mem>>) src(%dma_wait3A_324 : memref<64xf32, #tpu.memory_space<vmem_shared>>) dst(%dma_wait3A_322 : memref<64xf32, #tpu.memory_space<vmem>>)
    %dma_wait3A_325 = arith.constant 0 : i32
    %dma_wait3A_326 = tpu.memref_slice %arg11[%dma_wait3A_325] : memref<512xf32, #tpu.memory_space<vmem>> -> memref<64xf32, #tpu.memory_space<vmem>>
    %dma_wait3A_327 = arith.constant 0 : i32
    %dma_wait3A_328 = tpu.memref_slice %arg13[%dma_wait3A_327] : memref<8192xf32, #tpu.memory_space<vmem_shared>> -> memref<64xf32, #tpu.memory_space<vmem_shared>>
    %dma_wait3A_329 = arith.constant 0 : i32
    %dma_wait3A_330 = tpu.memref_slice %arg11[%dma_wait3A_329] : memref<512xf32, #tpu.memory_space<vmem>> -> memref<64xf32, #tpu.memory_space<vmem>>
    %dma_wait3A_331 = arith.constant 0 : i32
    %dma_wait3A_332 = tpu.memref_slice %arg13[%dma_wait3A_331] : memref<8192xf32, #tpu.memory_space<vmem_shared>> -> memref<64xf32, #tpu.memory_space<vmem_shared>>
    tpu.wait_dma2 semaphore(%arg18 : memref<!tpu.dma_semaphore, #tpu.memory_space<semaphore_mem>>) src(%dma_wait3A_332 : memref<64xf32, #tpu.memory_space<vmem_shared>>) dst(%dma_wait3A_330 : memref<64xf32, #tpu.memory_space<vmem>>)
    %dma_wait3A_333 = arith.constant 0 : i32
    %dma_wait3A_334 = tpu.memref_slice %arg11[%dma_wait3A_333] : memref<512xf32, #tpu.memory_space<vmem>> -> memref<64xf32, #tpu.memory_space<vmem>>
    %dma_wait3A_335 = arith.constant 0 : i32
    %dma_wait3A_336 = tpu.memref_slice %arg13[%dma_wait3A_335] : memref<8192xf32, #tpu.memory_space<vmem_shared>> -> memref<64xf32, #tpu.memory_space<vmem_shared>>
    %dma_wait3A_337 = arith.constant 0 : i32
    %dma_wait3A_338 = tpu.memref_slice %arg11[%dma_wait3A_337] : memref<512xf32, #tpu.memory_space<vmem>> -> memref<64xf32, #tpu.memory_space<vmem>>
    %dma_wait3A_339 = arith.constant 0 : i32
    %dma_wait3A_340 = tpu.memref_slice %arg13[%dma_wait3A_339] : memref<8192xf32, #tpu.memory_space<vmem_shared>> -> memref<64xf32, #tpu.memory_space<vmem_shared>>
    tpu.wait_dma2 semaphore(%arg18 : memref<!tpu.dma_semaphore, #tpu.memory_space<semaphore_mem>>) src(%dma_wait3A_340 : memref<64xf32, #tpu.memory_space<vmem_shared>>) dst(%dma_wait3A_338 : memref<64xf32, #tpu.memory_space<vmem>>)
    %get3A = arith.constant 0 : index
    %get3A_341 = tpu.vector_load %arg11[%get3A] {strides = array<i32>} : memref<512xf32, #tpu.memory_space<vmem>>, vector<16xf32>,
    %get3A_342 = arith.constant 64 : index
    %get3A_343 = tpu.vector_load %arg11[%get3A_342] {strides = array<i32>} : memref<512xf32, #tpu.memory_space<vmem>>, vector<16xf32>,
    %add3A_344 = arith.addf %get3A_341, %get3A_343 : vector<16xf32>
    %get3A_345 = arith.constant 128 : index
    %get3A_346 = tpu.vector_load %arg11[%get3A_345] {strides = array<i32>} : memref<512xf32, #tpu.memory_space<vmem>>, vector<16xf32>,
    %add3A_347 = arith.addf %add3A_344, %get3A_346 : vector<16xf32>
    %get3A_348 = arith.constant 192 : index
    %get3A_349 = tpu.vector_load %arg11[%get3A_348] {strides = array<i32>} : memref<512xf32, #tpu.memory_space<vmem>>, vector<16xf32>,
    %add3A_350 = arith.addf %add3A_347, %get3A_349 : vector<16xf32>
    %get3A_351 = arith.constant 256 : index
    %get3A_352 = tpu.vector_load %arg11[%get3A_351] {strides = array<i32>} : memref<512xf32, #tpu.memory_space<vmem>>, vector<16xf32>,
    %add3A_353 = arith.addf %add3A_350, %get3A_352 : vector<16xf32>
    %get3A_354 = arith.constant 320 : index
    %get3A_355 = tpu.vector_load %arg11[%get3A_354] {strides = array<i32>} : memref<512xf32, #tpu.memory_space<vmem>>, vector<16xf32>,
    %add3A_356 = arith.addf %add3A_353, %get3A_355 : vector<16xf32>
    %get3A_357 = arith.constant 384 : index
    %get3A_358 = tpu.vector_load %arg11[%get3A_357] {strides = array<i32>} : memref<512xf32, #tpu.memory_space<vmem>>, vector<16xf32>,
    %add3A_359 = arith.addf %add3A_356, %get3A_358 : vector<16xf32>
    %get3A_360 = arith.constant 448 : index
    %get3A_361 = tpu.vector_load %arg11[%get3A_360] {strides = array<i32>} : memref<512xf32, #tpu.memory_space<vmem>>, vector<16xf32>,
    %add3A_362 = arith.addf %add3A_359, %get3A_361 : vector<16xf32>
    %swap3A_363 = arith.constant 0 : index
    %swap3A_364 = tpu.vector_load %arg12[%swap3A_363] {strides = array<i32>} : memref<64xf32, #tpu.memory_space<vmem>>, vector<16xf32>,
    tpu.vector_store %arg12[%swap3A_363], %add3A_362 {strides = array<i32>} : memref<64xf32, #tpu.memory_space<vmem>>, vector<16xf32>,
    %get3A_365 = arith.constant 16 : index
    %get3A_366 = tpu.vector_load %arg11[%get3A_365] {strides = array<i32>} : memref<512xf32, #tpu.memory_space<vmem>>, vector<16xf32>,
    %get3A_367 = arith.constant 80 : index
    %get3A_368 = tpu.vector_load %arg11[%get3A_367] {strides = array<i32>} : memref<512xf32, #tpu.memory_space<vmem>>, vector<16xf32>,
    %add3A_369 = arith.addf %get3A_366, %get3A_368 : vector<16xf32>
    %get3A_370 = arith.constant 144 : index
    %get3A_371 = tpu.vector_load %arg11[%get3A_370] {strides = array<i32>} : memref<512xf32, #tpu.memory_space<vmem>>, vector<16xf32>,
    %add3A_372 = arith.addf %add3A_369, %get3A_371 : vector<16xf32>
    %get3A_373 = arith.constant 208 : index
    %get3A_374 = tpu.vector_load %arg11[%get3A_373] {strides = array<i32>} : memref<512xf32, #tpu.memory_space<vmem>>, vector<16xf32>,
    %add3A_375 = arith.addf %add3A_372, %get3A_374 : vector<16xf32>
    %get3A_376 = arith.constant 272 : index
    %get3A_377 = tpu.vector_load %arg11[%get3A_376] {strides = array<i32>} : memref<512xf32, #tpu.memory_space<vmem>>, vector<16xf32>,
    %add3A_378 = arith.addf %add3A_375, %get3A_377 : vector<16xf32>
    %get3A_379 = arith.constant 336 : index
    %get3A_380 = tpu.vector_load %arg11[%get3A_379] {strides = array<i32>} : memref<512xf32, #tpu.memory_space<vmem>>, vector<16xf32>,
    %add3A_381 = arith.addf %add3A_378, %get3A_380 : vector<16xf32>
    %get3A_382 = arith.constant 400 : index
    %get3A_383 = tpu.vector_load %arg11[%get3A_382] {strides = array<i32>} : memref<512xf32, #tpu.memory_space<vmem>>, vector<16xf32>,
    %add3A_384 = arith.addf %add3A_381, %get3A_383 : vector<16xf32>
    %get3A_385 = arith.constant 464 : index
    %get3A_386 = tpu.vector_load %arg11[%get3A_385] {strides = array<i32>} : memref<512xf32, #tpu.memory_space<vmem>>, vector<16xf32>,
    %add3A_387 = arith.addf %add3A_384, %get3A_386 : vector<16xf32>
    %swap3A_388 = arith.constant 16 : index
    %swap3A_389 = tpu.vector_load %arg12[%swap3A_388] {strides = array<i32>} : memref<64xf32, #tpu.memory_space<vmem>>, vector<16xf32>,
    tpu.vector_store %arg12[%swap3A_388], %add3A_387 {strides = array<i32>} : memref<64xf32, #tpu.memory_space<vmem>>, vector<16xf32>,
    %get3A_390 = arith.constant 32 : index
    %get3A_391 = tpu.vector_load %arg11[%get3A_390] {strides = array<i32>} : memref<512xf32, #tpu.memory_space<vmem>>, vector<16xf32>,
    %get3A_392 = arith.constant 96 : index
    %get3A_393 = tpu.vector_load %arg11[%get3A_392] {strides = array<i32>} : memref<512xf32, #tpu.memory_space<vmem>>, vector<16xf32>,
    %add3A_394 = arith.addf %get3A_391, %get3A_393 : vector<16xf32>
    %get3A_395 = arith.constant 160 : index
    %get3A_396 = tpu.vector_load %arg11[%get3A_395] {strides = array<i32>} : memref<512xf32, #tpu.memory_space<vmem>>, vector<16xf32>,
    %add3A_397 = arith.addf %add3A_394, %get3A_396 : vector<16xf32>
    %get3A_398 = arith.constant 224 : index
    %get3A_399 = tpu.vector_load %arg11[%get3A_398] {strides = array<i32>} : memref<512xf32, #tpu.memory_space<vmem>>, vector<16xf32>,
    %add3A_400 = arith.addf %add3A_397, %get3A_399 : vector<16xf32>
    %get3A_401 = arith.constant 288 : index
    %get3A_402 = tpu.vector_load %arg11[%get3A_401] {strides = array<i32>} : memref<512xf32, #tpu.memory_space<vmem>>, vector<16xf32>,
    %add3A_403 = arith.addf %add3A_400, %get3A_402 : vector<16xf32>
    %get3A_404 = arith.constant 352 : index
    %get3A_405 = tpu.vector_load %arg11[%get3A_404] {strides = array<i32>} : memref<512xf32, #tpu.memory_space<vmem>>, vector<16xf32>,
    %add3A_406 = arith.addf %add3A_403, %get3A_405 : vector<16xf32>
    %get3A_407 = arith.constant 416 : index
    %get3A_408 = tpu.vector_load %arg11[%get3A_407] {strides = array<i32>} : memref<512xf32, #tpu.memory_space<vmem>>, vector<16xf32>,
    %add3A_409 = arith.addf %add3A_406, %get3A_408 : vector<16xf32>
    %get3A_410 = arith.constant 480 : index
    %get3A_411 = tpu.vector_load %arg11[%get3A_410] {strides = array<i32>} : memref<512xf32, #tpu.memory_space<vmem>>, vector<16xf32>,
    %add3A_412 = arith.addf %add3A_409, %get3A_411 : vector<16xf32>
    %swap3A_413 = arith.constant 32 : index
    %swap3A_414 = tpu.vector_load %arg12[%swap3A_413] {strides = array<i32>} : memref<64xf32, #tpu.memory_space<vmem>>, vector<16xf32>,
    tpu.vector_store %arg12[%swap3A_413], %add3A_412 {strides = array<i32>} : memref<64xf32, #tpu.memory_space<vmem>>, vector<16xf32>,
    %get3A_415 = arith.constant 48 : index
    %get3A_416 = tpu.vector_load %arg11[%get3A_415] {strides = array<i32>} : memref<512xf32, #tpu.memory_space<vmem>>, vector<16xf32>,
    %get3A_417 = arith.constant 112 : index
    %get3A_418 = tpu.vector_load %arg11[%get3A_417] {strides = array<i32>} : memref<512xf32, #tpu.memory_space<vmem>>, vector<16xf32>,
    %add3A_419 = arith.addf %get3A_416, %get3A_418 : vector<16xf32>
    %get3A_420 = arith.constant 176 : index
    %get3A_421 = tpu.vector_load %arg11[%get3A_420] {strides = array<i32>} : memref<512xf32, #tpu.memory_space<vmem>>, vector<16xf32>,
    %add3A_422 = arith.addf %add3A_419, %get3A_421 : vector<16xf32>
    %get3A_423 = arith.constant 240 : index
    %get3A_424 = tpu.vector_load %arg11[%get3A_423] {strides = array<i32>} : memref<512xf32, #tpu.memory_space<vmem>>, vector<16xf32>,
    %add3A_425 = arith.addf %add3A_422, %get3A_424 : vector<16xf32>
    %get3A_426 = arith.constant 304 : index
    %get3A_427 = tpu.vector_load %arg11[%get3A_426] {strides = array<i32>} : memref<512xf32, #tpu.memory_space<vmem>>, vector<16xf32>,
    %add3A_428 = arith.addf %add3A_425, %get3A_427 : vector<16xf32>
    %get3A_429 = arith.constant 368 : index
    %get3A_430 = tpu.vector_load %arg11[%get3A_429] {strides = array<i32>} : memref<512xf32, #tpu.memory_space<vmem>>, vector<16xf32>,
    %add3A_431 = arith.addf %add3A_428, %get3A_430 : vector<16xf32>
    %get3A_432 = arith.constant 432 : index
    %get3A_433 = tpu.vector_load %arg11[%get3A_432] {strides = array<i32>} : memref<512xf32, #tpu.memory_space<vmem>>, vector<16xf32>,
    %add3A_434 = arith.addf %add3A_431, %get3A_433 : vector<16xf32>
    %get3A_435 = arith.constant 496 : index
    %get3A_436 = tpu.vector_load %arg11[%get3A_435] {strides = array<i32>} : memref<512xf32, #tpu.memory_space<vmem>>, vector<16xf32>,
    %add3A_437 = arith.addf %add3A_434, %get3A_436 : vector<16xf32>
    %swap3A_438 = arith.constant 48 : index
    %swap3A_439 = tpu.vector_load %arg12[%swap3A_438] {strides = array<i32>} : memref<64xf32, #tpu.memory_space<vmem>>, vector<16xf32>,
    tpu.vector_store %arg12[%swap3A_438], %add3A_437 {strides = array<i32>} : memref<64xf32, #tpu.memory_space<vmem>>, vector<16xf32>,
    %mul3A_440 = arith.constant 64 : i32
    %mul3A_441 = arith.muli %arg1, %mul3A_440 : i32
    "tpu.region"() ({
      %run_scoped3A = tpu.sem_alloc : memref<!tpu.dma_semaphore, #tpu.memory_space<semaphore_mem>>
      %dma_start3A_442 = tpu.memref_slice %arg5[%arg0, %mul3A_441] : memref<2x1024xf32, #tpu.memory_space<hbm>> -> memref<1x64xf32, #tpu.memory_space<hbm>>
      %dma_start3A_443 = tpu.memref_squeeze %dma_start3A_442 : memref<1x64xf32, #tpu.memory_space<hbm>> -> memref<64xf32, #tpu.memory_space<hbm>>
      %dma_start3A_444 = tpu.memref_slice %arg5[%arg0, %mul3A_441] : memref<2x1024xf32, #tpu.memory_space<hbm>> -> memref<1x64xf32, #tpu.memory_space<hbm>>
      %dma_start3A_445 = tpu.memref_squeeze %dma_start3A_444 : memref<1x64xf32, #tpu.memory_space<hbm>> -> memref<64xf32, #tpu.memory_space<hbm>>
      tpu.enqueue_dma source(%arg12 : memref<64xf32, #tpu.memory_space<vmem>>) target(%dma_start3A_445 : memref<64xf32, #tpu.memory_space<hbm>>) target_semaphore(%run_scoped3A : memref<!tpu.dma_semaphore, #tpu.memory_space<semaphore_mem>>)
      %dma_wait3A_446 = tpu.memref_slice %arg5[%arg0, %mul3A_441] : memref<2x1024xf32, #tpu.memory_space<hbm>> -> memref<1x64xf32, #tpu.memory_space<hbm>>
      %dma_wait3A_447 = tpu.memref_squeeze %dma_wait3A_446 : memref<1x64xf32, #tpu.memory_space<hbm>> -> memref<64xf32, #tpu.memory_space<hbm>>
      %dma_wait3A_448 = tpu.memref_slice %arg5[%arg0, %mul3A_441] : memref<2x1024xf32, #tpu.memory_space<hbm>> -> memref<1x64xf32, #tpu.memory_space<hbm>>
      %dma_wait3A_449 = tpu.memref_squeeze %dma_wait3A_448 : memref<1x64xf32, #tpu.memory_space<hbm>> -> memref<64xf32, #tpu.memory_space<hbm>>
      tpu.wait_dma2 semaphore(%run_scoped3A : memref<!tpu.dma_semaphore, #tpu.memory_space<semaphore_mem>>) src(%arg12 : memref<64xf32, #tpu.memory_space<vmem>>) dst(%dma_wait3A_449 : memref<64xf32, #tpu.memory_space<hbm>>)
      tpu.yield
    }) : () -> ()
    return
  }
}

</mosaic_0001>

<sc_bundles>
// kernel: kernel.3.cloned.1.call-start
scs
__scs_entry_jumppad:
0x0: {  	(pc) =	sbr.rel $0x88, $3  }
0x1: {  	(tag) =	ssettag $0x0;
	lr =	simm.s32 $0x1  }
0x2: {  	[smem:$0x3F9E] =	sst lr;
	_ =	strace $0xD0000000  }
0x3: {  	_ = 	snop  }
0x4: {  	_ = 	snop  }
0x5: {  	_ = 	snop  }
0x6: {  	_ = 	snop  }
0x7: {  	_ = 	snop  }
__scs_overlays_trampoline_lowered:
0x8: {  	[smem:$0x3FAD] =	sst s0  }
0x9: {  	[smem:$0x3FAE] =	sst s1  }
0xa: {  	[smem:$0x3FAF] =	sst s2  }
0xb: {  	[smem:$0x3FB0] =	sst s3  }
0xc: {  	[smem:$0x3FB1] =	sst s4  }
0xd: {  	[smem:$0x3FB2] =	sst s5  }
0xe: {  	[smem:$0x3FB3] =	sst s6  }
0xf: {  	[smem:$0x3FB4] =	sst s7  }
0x10: {  	[smem:$0x3FB5] =	sst s8  }
0x11: {  	[smem:$0x3FB6] =	sst s9;
	s0 =	simm.s32 @!p0 $0x0  }
0x12: {  	s1 =	sld [smem:$0x3F9C];
	s0 =	simm.s32 @p0 $0x1  }
0x13: {  	[smem:$0x3FB7] =	sst s0;
	s0 =	simm.s32 @!p1 $0x0  }
0x14: {  	s2 =	sld [smem:$0x3F9B];
	s0 =	simm.s32 @p1 $0x1  }
0x15: {  	[smem:$0x3FB8] =	sst s0;
	s0 =	simm.s32 @!p2 $0x0  }
0x16: {  	s3 =	sld [smem:$0x3FDB];
	s0 =	simm.s32 @p2 $0x1  }
0x17: {  	s4 =	simm.s32 $0x1BF5;
	[smem:$0x3FBA] =	sst s0  }
0x18: {  	s0 =	sld [smem:$0x3F9D];
	_ =	swait.ge [sflag:s4], $0x0  }
0x19: {  	s7 =	sld [smem:$0x3F9E]  }
0x1a: {  	s8 =	sadd.s32 $0xFFFFE003, lr  }
0x1b: {  	s9 =	sadd.s32 $0xFFFFFEF7, lr;
	s5 =	simm.s32 $0xFFFFFFFF;
	p2 =	slt.u32 s8, $0xFFFFF086  }
0x1c: {  	p1 =	slt.u32 s9, $0xF7A;
	s5 =	simm.s32 @!p2 $0x0  }
0x1d: {  	s5 =	simm.s32 @p1 $0x1;
	p0 =	seq.s32 s7, s2  }
0x1e: {  	s7 =	smul.u32 @!p0 $0xF7A, s2;
	p2 =	seq.s32 @!p0 s5, $0x0  }
0x1f: {  	s9 =	smul.u32 $0xF7A, s1;
	s8 =	simm.s32 @!p0 $0x1BF5;
	p2 =	por !p2, p0  }
0x20: {  	[sflag:s8] =	ssyncset.s32 @!p0 $0xFFFFF086;
	s6 =	sadd.s32 @!p0 s3, s7;
	s7 =	simm.s32 @!p0 $0x108  }
0x21: {  	s3 =	sadd.s32 s3, s9;
	s6 =	sadd.s32 @!p0 $0x88, s6;
	s7 =	simm.s32 @p2 $0x1082  }
0x22: {  	[simem:s7], [sflag:s8] =	dma.local @!p0 [hbm:s6], $0xF7A  }
0x23: {  	s9 =	sor.u32 $0xD0000000, s2;
	s6 =	simm.s32 $0x108;
	_ =	swait.ge @!p0 [sflag:s8], $0x0  }
0x24: {  	s3 =	sadd.s32 $0x88, s3;
	s6 =	simm.s32 @!p1 $0x1082;
	[sflag:s4] =	ssyncset.s32 $0xFFFFF086  }
0x25: {  	[simem:s6], [sflag:s4] =	dma.local [hbm:s3], $0xF7A  }
0x26: {  	[smem:$0x3F9E] =	sst s1;
	(tag) =	ssettag s2;
	_ =	strace s9  }
0x27: {  	s1 =	sld [smem:$0x3FAE]  }
0x28: {  	s2 =	sld [smem:$0x3FAF]  }
0x29: {  	s4 =	sld [smem:$0x3FB1]  }
0x2a: {  	p0 =	seq.s32 s5, $0x0;
	s5 =	sld [smem:$0x3FB2]  }
0x2b: {  	s6 =	sld [smem:$0x3FB3]  }
0x2c: {  	s7 =	sld [smem:$0x3FB4]  }
0x2d: {  	s3 =	simm.s32 $0x108;
	s8 =	sld [smem:$0x3FB5]  }
0x2e: {  	s3 =	simm.s32 @!p0 $0x1082;
	s9 =	sld [smem:$0x3FB6]  }
0x2f: {  	lr =	sadd.s32 s0, s3;
	s0 =	sld [smem:$0x3FAD]  }
0x30: {  	s3 =	sld [smem:$0x3FB0]  }
0x31: {  	[smem:$0x3FB9] =	sst s10  }
0x32: {  	s10 =	sld [smem:$0x3FB7];
	_ =	sdelay $0x3  }
0x33: {  	p0 =	seq.s32 s10, $0x1;
	s10 =	sld [smem:$0x3FB9];
	_ =	sdelay $0x3  }
0x34: {  	[smem:$0x3FB9] =	sst s10  }
0x35: {  	s10 =	sld [smem:$0x3FB8];
	_ =	sdelay $0x3  }
0x36: {  	p1 =	seq.s32 s10, $0x1;
	s10 =	sld [smem:$0x3FB9];
	_ =	sdelay $0x3  }
0x37: {  	[smem:$0x3FB9] =	sst s10  }
0x38: {  	s10 =	sld [smem:$0x3FBA]  }
0x39: {  	_ = 	snop;
	(pc) =	sbr.ind lr, $3  }
0x3a: {  	_ = 	snop  }
0x3b: {  	_ = 	snop  }
0x3c: {  	p2 =	seq.s32 s10, $0x1;
	s10 =	sld [smem:$0x3FB9]  }
0x3d: {  	_ =	shalt  }
0x3e: {  	_ =	shalt  }
0x3f: {  	_ =	shalt  }
0x40: {  	_ =	shalt  }
0x41: {  	_ =	shalt  }
0x42: {  	_ =	shalt  }
0x43: {  	_ =	shalt  }
0x44: {  	_ =	shalt  }
0x45: {  	_ =	shalt  }
0x46: {  	_ =	shalt  }
0x47: {  	_ =	shalt  }
0x48: {  	_ =	shalt  }
0x49: {  	_ =	shalt  }
0x4a: {  	_ =	shalt  }
0x4b: {  	_ =	shalt  }
0x4c: {  	_ =	shalt  }
0x4d: {  	_ =	shalt  }
0x4e: {  	_ =	shalt  }
0x4f: {  	_ =	shalt  }
0x50: {  	_ =	shalt  }
0x51: {  	_ =	shalt  }
0x52: {  	_ =	shalt  }
0x53: {  	_ =	shalt  }
0x54: {  	_ =	shalt  }
0x55: {  	_ =	shalt  }
0x56: {  	_ =	shalt  }
0x57: {  	_ =	shalt  }
0x58: {  	_ =	shalt  }
0x59: {  	_ =	shalt  }
0x5a: {  	_ =	shalt  }
0x5b: {  	_ =	shalt  }
0x5c: {  	_ =	shalt  }
0x5d: {  	_ =	shalt  }
0x5e: {  	_ =	shalt  }
0x5f: {  	_ =	shalt  }
0x60: {  	_ =	shalt  }
0x61: {  	_ =	shalt  }
0x62: {  	_ =	shalt  }
0x63: {  	_ =	shalt  }
0x64: {  	_ =	shalt  }
0x65: {  	_ =	shalt  }
0x66: {  	_ =	shalt  }
0x67: {  	_ =	shalt  }
0x68: {  	_ =	shalt  }
0x69: {  	_ =	shalt  }
0x6a: {  	_ =	shalt  }
0x6b: {  	_ =	shalt  }
0x6c: {  	_ =	shalt  }
0x6d: {  	_ =	shalt  }
0x6e: {  	_ =	shalt  }
0x6f: {  	_ =	shalt  }
0x70: {  	_ =	shalt  }
0x71: {  	_ =	shalt  }
0x72: {  	_ =	shalt  }
0x73: {  	_ =	shalt  }
0x74: {  	_ =	shalt  }
0x75: {  	_ =	shalt  }
0x76: {  	_ =	shalt  }
0x77: {  	_ =	shalt  }
0x78: {  	_ =	shalt  }
0x79: {  	_ =	shalt  }
0x7a: {  	_ =	shalt  }
0x7b: {  	_ =	shalt  }
0x7c: {  	_ =	shalt  }
0x7d: {  	_ =	shalt  }
0x7e: {  	_ =	shalt  }
0x7f: {  	_ =	shalt  }
0x80: {  	_ =	shalt  }
0x81: {  	_ =	shalt  }
0x82: {  	_ =	shalt  }
0x83: {  	_ =	shalt  }
0x84: {  	_ =	shalt  }
0x85: {  	_ =	shalt  }
0x86: {  	_ =	shalt  }
0x87: {  	_ =	shalt  }
.Lfunc_end0:
.L_simem_size_0:
called_computation_lowered:
.L_overlay_start_0:
0x88: {  	s2 =	sld [smem:$0x3FD9]  }
0x89: {  	s3 =	sld [smem:$0x3FFE];
	_ =	sdelay $0x1  }
0x8a: {  	s1 =	srdreg.scid  }
0x8b: {  	s0 =	sand.u32 $0x1, s1  }
0x8c: {  	s17 =	sshll.u32 s0, $0xA;
	s2 =	sadd.s32 s3, s2  }
0x8d: {  	s2 =	sadd.s32 s2, s17  }
0x8e: {  	[smem:$0x3FC5] =	sst s2  }
0x8f: {  	_ = 	snop  }
0x90: {  	s2 =	sld [smem:$0x3FC9]  }
0x91: {  	s18 =	sld [smem:$0x3FC8]  }
0x92: {  	s4 =	sld [smem:$0x3FC7];
	(tm) =	ssettm $0x1  }
0x93: {  	s5 =	sld [smem:$0x3FFB];
	_ =	sdelay $0x3  }
0x94: {  	_ =	strace s5  }
0x95: {  	s5 =	sld [smem:$0x3FFC];
	_ =	sdelay $0x3  }
0x96: {  	_ =	strace s5  }
0x97: {  	s5 =	sld [smem:$0x3FFD];
	_ =	sdelay $0x3  }
0x98: {  	_ =	strace s5  }
0x99: {  	_ =	strace $0x8FFFFFFF  }
0x9a: {  	s19 =	sld [smem:$0x3FDB];
	_ =	sdelay $0x1  }
0x9b: {  	s6 =	simm.s32 $_scs_section_size  }
0x9c: {  	s7 =	simm.s32 $_size__tile_overlayer_lowered;
	s8 =	simm.s32 $_tile_overlayer_lowered  }
0x9d: {  	s22 =	simm.s32 $0x1BFF;
	s21 =	sshll.u32 s8, $0x1;
	s5 =	sadd.s32 s6, s19  }
0x9e: {  	s9 =	simm.s32 $0x0;
	s20 =	sshll.u32 s7, $0x1;
	s7 =	sadd.s32 s21, s5  }
0x9f: {  	[timem:s9], [sflag:s22] =	dma.local [hbm:s7], s20  }
0xa0: {  	_ =	swait.ge [sflag:s22], s20  }
0xa1: {  	s6 =	ssub.s32 $0x0, s20;
	[sflag:s22] =	ssyncset.done $0x0  }
0xa2: {  	[sflag:s22] =	ssyncadd.s32 s6;
	_ =	sdelay $0x1  }
0xa3: {  	s23 =	simm.s32 $0x1B8B  }
0xa4: {  	_ =	swait.ge [sflag:s23], $0x1  }
0xa5: {  	[sflag:s23] =	ssyncset.done $0x0  }
0xa6: {  	s25 =	simm.s32 $0x1B8E;
	s24 =	sld [smem:$0x3FFE];
	[sflag:s23] =	ssyncadd.s32 $0xFFFFFFFF  }
0xa7: {  	s26 =	simm.s32 $execute0_lowered;
	[smem:$0x3FD2] =	sst s25  }
0xa8: {  	s7 =	sshll.u32 s26, $0x1;
	_ =	strace $0x80000046;
	[dreg:$0x1] =	wrdreg $0xFFFFFFFF  }
0xa9: {  	s28 =	simm.s32 $_size_execute0_lowered;
	s5 =	sadd.s32 s5, s7;
	[dreg:$0x0] =	wrdreg $0x0  }
0xaa: {  	s7 =	sshll.u32 s28, $0x1;
	[dreg:$0x2] =	wrdreg s5  }
0xab: {  	[dreg:$0x3] =	wrdreg s7  }
0xac: {  	[dreg:$0x4] =	wrdreg $0xC0  }
0xad: {  	_ =	task [dreg:s9], $0x5FFFF  }
0xae: {  	[dreg:$0x1] =	wrdreg $0xFFFFFFFF  }
0xaf: {  	[dreg:$0x0] =	wrdreg $0x60  }
0xb0: {  	[dreg:$0x2] =	wrdreg s2  }
0xb1: {  	[dreg:$0x3] =	wrdreg s18  }
0xb2: {  	[dreg:$0x4] =	wrdreg s4  }
0xb3: {  	[dreg:$0x5] =	wrdreg s24  }
0xb4: {  	[dreg:$0x6] =	wrdreg $0x2E000  }
0xb5: {  	[dreg:$0x7] =	wrdreg $0x9  }
0xb6: {  	_ =	task.clear_ibuf [dreg:s9], $0x8FFFF;
	_ =	strace $0x90000046  }
0xb7: {  	s29 =	simm.s32 $0x9;
	_ =	strace $0x80000048  }
0xb8: {  	_ =	swait.ge [sflag:s29], $0x1  }
0xb9: {  	[sflag:s29] =	ssyncadd.s32 $0xFFFFFFFF  }
0xba: {  	_ =	strace $0x90000048  }
0xbb: {  	_ =	sfence  }
0xbc: {  	s30 =	sld [smem:$0x0];
	_ =	sdelay $0x2  }
0xbd: {  	s31 =	sshll.u32 s1, $0xD;
	s1 =	sshrl.u32 s1, $0x2  }
0xbe: {  	s3 =	sand.u32 $0x4000, s31;
	s1 =	sadd.s32 s1, s30  }
0xbf: {  	s0 =	sor.u32 s3, s0;
	s1 =	sshll.u32 s1, $0x11  }
0xc0: {  	s0 =	sor.u32 s1, s0  }
0xc1: {  	s0 =	sadd.s32 $0x8F2B, s0  }
0xc2: {  	[sflag:s0] =	ssyncadd.remote.s32 $0x1  }
0xc3: {  	_ =	sfence.sel $0xFFFF  }
0xc4: {  	[dreg:$0x0] =	wrdreg $0xFFFFFFFF;
	(pc) =	sbr.abs _section_cstart, $3  }
0xc5: {  	[dreg:$0x1] =	wrdreg $0xFFFFFFFF  }
0xc6: {  	_ =	task.clear_ibuf [dreg:s9], $0x2FFFF;
	_ =	strace $0x9FFFFFFF  }
0xc7: {  	(tm) =	ssettm $0x7FFFFFFF  }
tec
execute0_lowered:
.L_overlay_start_1:
0x0: {  	(tag) =	ssettag $0x1  }
0x1: {  	s0 =	rddreg [dreg:$0x0]  }
0x2: {  	s1 =	rddreg [dreg:$0x1]  }
0x3: {  	s2 =	rddreg [dreg:$0x3]  }
0x4: {  	s3 =	rddreg [dreg:$0x4]  }
0x5: {  	s5 =	srdreg.scid;
	s16 =	stileid.u32;
	s4 =	simm.s32 $0x0  }
0x6: {  	s30 =	simm.s32 $0x6;
	s31 =	simm.s32 $0x3;
	s28 =	simm.s32 $0x80  }
0x7: {  	s29 =	simm.s32 $0x2D40;
	s5 =	sand.u32 $0x1, s5;
	s6 =	sand.u32 $0xE, s16  }
0x8: {  	s7 =	sshll.u32 s16, $0x6;
	[smem:$0x7FF] =	sst s4;
	s25 =	sadd.s32 $0x30D0, s1  }
0x9: {  	s26 =	sshll.u32 s16, $0x9;
	s20 =	smul.u32 $0xC80, s16;
	s21 =	sadd.s32 $0x3070, s1  }
0xa: {  	s22 =	sadd.s32 $0x3080, s1;
	_ =	strace $0x80000047;
	[dreg:$0x8] =	wrdreg s25  }
0xb: {  	s6 =	sor.u32 s5, s6;
	s8 =	sshll.u32 s5, $0x4;
	[dreg:$0x9] =	wrdreg s21  }
0xc: {  	s9 =	sand.u32 $0x40, s7;
	s23 =	ssub.s32 $0x2, s5;
	[dreg:$0xa] =	wrdreg s22  }
0xd: {  	s25 =	sadd.s32 $0x30B0, s1;
	s22 =	simm.s32 $0x2D00;
	s6 =	sshll.u32 s6, $0x7  }
0xe: {  	s19 =	sor.u32 s16, s8;
	s24 =	sshrl.u32 s23, $0x1;
	[dreg:$0xd] =	wrdreg s25  }
0xf: {  	s25 =	simm.s32 $0x2D80;
	s6 =	sor.u32 s9, s6;
	s8 =	smul.u32 $0xC80, s19  }
0x10: {  	s9 =	sadd.s32 s26, s3;
	p0 =	seq.s32 s19, $0x1F;
	s26 =	sadd.s32 $0x30C0, s1  }
0x11: {  	s6 =	sshrl.u32 s6, $0x3;
	[dreg:$0xe] =	wrdreg s26;
	s26 =	simm.s32 $0x2900  }
0x12: {  	s2 =	sadd.s32 s6, s2;
	s6 =	ssub.s32 s23, s24;
	s23 =	sadd.s32 $0x3090, s1  }
0x13: {  	s8 =	sshrl.u32 s8, $0x3;
	s24 =	sadd.s32 $0x30A0, s1;
	[dreg:$0xb] =	wrdreg s23  }
0x14: {  	s8 =	sadd.s32 s0, s8;
	s0 =	sadd.s32 $0x3070, s0;
	[dreg:$0xc] =	wrdreg s24  }
0x15: {  	s17 =	sadd.s32 $0x400, s2;
	s18 =	smax.u32 s6, $0x1;
	[dreg:$0x6] =	wrdreg s8  }
0x16: {  	s2 =	simm.s32 $0x2;
	s23 =	simm.s32 $0x5;
	[dreg:$0x7] =	wrdreg s0  }
0x17: {  	s8 =	sadd.s32 s7, s3;
	s7 =	smul.u32 $0xC800, s5;
	s5 =	simm.s32 $0x0  }
0x18: {  	s10 =	sadd.s32 $0x400, s8;
	s11 =	sadd.s32 $0x800, s8;
	s12 =	sadd.s32 $0xC00, s8  }
0x19: {  	v1 =	vlaneseq.u32;
	s13 =	sadd.s32 $0x1000, s8;
	s14 =	sadd.s32 $0x1400, s8;
	s0 =	sadd.s32 s20, s7  }
0x1a: {  	v0 =	vimm.f32 $0.0e+00;
	v3 =	vand.u32 $0x7, v1;
	s15 =	sadd.s32 $0x1800, s8;
	s16 =	sadd.s32 $0x1C00, s8;
	s0 =	sshrl.u32 s0, $0x3  }
0x1b: {  	v2 =	vimm.s32 $0x0;
	v1 =	vimm.s32 $0x60;
	v3 =	vmul.u32 $0x400, v3;
	s24 =	sadd.s32 s0, s1;
	s0 =	simm.s32 $0x1;
	s1 =	simm.s32 $0x4  }
.LBB2_1:
.Ltmp0:
0x1c: {  	(pc) =	sbr.rel @!p0 .LBB2_2-.Ltmp0, $3  }
0x1d: {  	_ =	sdelay $0x1  }
0x1e: {  	s6 =	rddreg [dreg:$0x2]  }
0x1f: {  	[tilespmem:s26], [sflag:$0x3] =	stream.linear.gather [hbm4b:s6+s4], $0x59, $0x38;
	[tilespmem:$0x3000] =	vst v63  }
0x20: {  	s6 =	rddreg [dreg:$0x7]  }
0x21: {  	[tilespmem:s4], [sflag:$0x1] =	stream.linear.gather [hbm4b:s6+s4], $0x320, $0x38;
	[tilespmem:$0x3000] =	vst v63  }
0x22: {  	s21 =	rddreg [dreg:$0x9];
	s7 =	simm.s32 $0x1900  }
0x23: {  	[tilespmem:s7], [sflag:$0x2] =	stream.linear.gather [hbm4b:s21+s4], $0x80, $0x38;
	[tilespmem:$0x3000] =	vst v63  }
0x24: {  	s19 =	simm.s32 $0x1980;
	s7 =	rddreg [dreg:$0xa]  }
0x25: {  	[tilespmem:s19], [sflag:$0x2] =	stream.linear.gather [hbm4b:s7+s4], $0x80, $0x38;
	[tilespmem:$0x3000] =	vst v63  }
0x26: {  	s20 =	rddreg [dreg:$0xb];
	s21 =	simm.s32 $0x1A00  }
0x27: {  	[tilespmem:s21], [sflag:$0x2] =	stream.linear.gather [hbm4b:s20+s4], $0x80, $0x38;
	[tilespmem:$0x3000] =	vst v63  }
0x28: {  	s7 =	rddreg [dreg:$0xc];
	s19 =	simm.s32 $0x1A80  }
0x29: {  	[tilespmem:s19], [sflag:$0x2] =	stream.linear.gather [hbm4b:s7+s4], $0x80, $0x38;
	[tilespmem:$0x3000] =	vst v63  }
0x2a: {  	s20 =	rddreg [dreg:$0xd];
	s21 =	simm.s32 $0x1B00  }
0x2b: {  	[tilespmem:s21], [sflag:$0x2] =	stream.linear.gather [hbm4b:s20+s4], $0x80, $0x38;
	[tilespmem:$0x3000] =	vst v63  }
.Ltmp1:
0x2c: {  	_ = 	snop;
	(pc) =	sbr.rel .LBB2_6-.Ltmp1, $4  }
0x2d: {  	s7 =	rddreg [dreg:$0xe];
	s19 =	simm.s32 $0x1B80  }
0x2e: {  	[tilespmem:s19], [sflag:$0x2] =	stream.linear.gather [hbm4b:s7+s4], $0x80, $0x38;
	[tilespmem:$0x3000] =	vst v63  }
0x2f: {  	s20 =	rddreg [dreg:$0x8];
	s21 =	simm.s32 $0x1C00  }
0x30: {  	[tilespmem:s21], [sflag:$0x2] =	stream.linear.gather [hbm4b:s20+s4], $0x20, $0x38;
	[tilespmem:$0x3000] =	vst v63  }
.LBB2_2:
0x31: {  	s6 =	simm.s32 $0x0;
	s7 =	rddreg [dreg:$0x6];
	s20 =	sadd.s32 $0x0, s24  }
0x32: {  	[tilespmem:s6], [sflag:$0x1] =	stream.linear.gather [hbm4b:s7+s6], $0xC80, $0x38;
	[tilespmem:$0x3000] =	vst v63  }
0x33: {  	s19 =	simm.s32 $0x1980;
	s6 =	simm.s32 $0x1900;
	s7 =	simm.s32 $0x10  }
.LBB2_3:
0x34: {  	[tilespmem:s6], [sflag:$0x2] =	stream.linear.gather [hbm4b:s20+s4], $0x80, $0x38;
	[tilespmem:$0x3000] =	vst v63  }
0x35: {  	s20 =	smov.u32 s7;
	s6 =	smov.u32 s19;
	p1 =	seq.s32 s7, $0x180  }
.Ltmp2:
0x36: {  	s7 =	sadd.s32 $0x10, s7;
	(pc) =	sbr.rel @!p1 .LBB2_3-.Ltmp2, $2  }
0x37: {  	_ =	sdelay $0x2  }
0x38: {  	s19 =	sadd.s32 $0x80, s19;
	s20 =	sadd.s32 s20, s24  }
0x39: {  	[tilespmem:s6], [sflag:$0x2] =	stream.linear.gather [hbm4b:s20+s4], $0x80, $0x38;
	[tilespmem:$0x3000] =	vst v63  }
.LBB2_6:
0x3a: {  	[tilespmem:$0x2980] =	vst v0  }
0x3b: {  	[tilespmem:$0x2990] =	vst v0  }
0x3c: {  	[tilespmem:$0x29A0] =	vst v0  }
0x3d: {  	[tilespmem:$0x29B0] =	vst v0  }
0x3e: {  	[tilespmem:$0x29C0] =	vst v0  }
0x3f: {  	[tilespmem:$0x29D0] =	vst v0  }
0x40: {  	[tilespmem:$0x29E0] =	vst v0  }
0x41: {  	[tilespmem:$0x29F0] =	vst v0  }
0x42: {  	[tilespmem:$0x2A00] =	vst v0  }
0x43: {  	[tilespmem:$0x2A10] =	vst v0  }
0x44: {  	[tilespmem:$0x2A20] =	vst v0  }
0x45: {  	[tilespmem:$0x2A30] =	vst v0  }
0x46: {  	[tilespmem:$0x2A40] =	vst v0  }
0x47: {  	[tilespmem:$0x2A50] =	vst v0  }
0x48: {  	[tilespmem:$0x2A60] =	vst v0  }
0x49: {  	[tilespmem:$0x2A70] =	vst v0  }
0x4a: {  	[tilespmem:$0x2A80] =	vst v0  }
0x4b: {  	[tilespmem:$0x2A90] =	vst v0  }
0x4c: {  	[tilespmem:$0x2AA0] =	vst v0  }
0x4d: {  	[tilespmem:$0x2AB0] =	vst v0  }
0x4e: {  	[tilespmem:$0x2AC0] =	vst v0  }
0x4f: {  	[tilespmem:$0x2AD0] =	vst v0  }
0x50: {  	[tilespmem:$0x2AE0] =	vst v0  }
0x51: {  	[tilespmem:$0x2AF0] =	vst v0  }
0x52: {  	[tilespmem:$0x2B00] =	vst v0  }
0x53: {  	[tilespmem:$0x2B10] =	vst v0  }
0x54: {  	[tilespmem:$0x2B20] =	vst v0  }
0x55: {  	[tilespmem:$0x2B30] =	vst v0  }
0x56: {  	[tilespmem:$0x2B40] =	vst v0  }
0x57: {  	[tilespmem:$0x2B50] =	vst v0  }
0x58: {  	[tilespmem:$0x2B60] =	vst v0  }
0x59: {  	[tilespmem:$0x2B70] =	vst v0;
	s6 =	simm.s32 $0x2980  }
0x5a: {  	[spmem:s9] =	stream.linear.scatter [tilespmem:s6], [sflag:$0x6], $0x200, $0x38;
	[tilespmem:$0x3000] =	vst v63  }
0x5b: {  	_ =	swait.ge [sflag:s30], $0x200  }
0x5c: {  	[sflag:s30] =	ssyncset.done $0x0  }
0x5d: {  	[sflag:s30] =	ssyncadd.s32 $0xFFFFFE00  }
.Ltmp3:
0x5e: {  	[bflag:$0x0] =	sbarrier.arrive $0xFFFF;
	(pc) =	sbr.rel @!p0 .LBB2_7-.Ltmp3, $4  }
0x5f: {  	_ =	swait.ge [sflag:s31], $0x59  }
0x60: {  	[sflag:s31] =	ssyncset.done $0x0  }
0x61: {  	[sflag:s31] =	ssyncadd.s32 $0xFFFFFFA7  }
0x62: {  	[tilespmem:$0x2960] =	vst v0  }
0x63: {  	_ =	swait.ge [sflag:s0], $0x320  }
0x64: {  	[sflag:s0] =	ssyncset.done $0x0  }
0x65: {  	[sflag:s0] =	ssyncadd.s32 $0xFFFFFCE0  }
0x66: {  	_ =	swait.ge [sflag:s2], $0x80  }
0x67: {  	[sflag:s2] =	ssyncset.done $0x0  }
0x68: {  	[sflag:s2] =	ssyncadd.s32 $0xFFFFFF80  }
0x69: {  	_ =	swait.ge [sflag:s2], $0x80  }
0x6a: {  	[sflag:s2] =	ssyncset.done $0x0  }
0x6b: {  	[sflag:s2] =	ssyncadd.s32 $0xFFFFFF80  }
0x6c: {  	_ =	swait.ge [sflag:s2], $0x80  }
0x6d: {  	[sflag:s2] =	ssyncset.done $0x0  }
0x6e: {  	[sflag:s2] =	ssyncadd.s32 $0xFFFFFF80  }
0x6f: {  	_ =	swait.ge [sflag:s2], $0x80  }
0x70: {  	[sflag:s2] =	ssyncset.done $0x0  }
0x71: {  	[sflag:s2] =	ssyncadd.s32 $0xFFFFFF80  }
0x72: {  	_ =	swait.ge [sflag:s2], $0x80  }
0x73: {  	[sflag:s2] =	ssyncset.done $0x0  }
0x74: {  	[sflag:s2] =	ssyncadd.s32 $0xFFFFFF80  }
0x75: {  	_ =	swait.ge [sflag:s2], $0x80  }
0x76: {  	[sflag:s2] =	ssyncset.done $0x0  }
0x77: {  	[sflag:s2] =	ssyncadd.s32 $0xFFFFFF80  }
0x78: {  	_ =	swait.ge [sflag:s2], $0x20  }
0x79: {  	[sflag:s2] =	ssyncset.done $0x0  }
0x7a: {  	[sflag:s2] =	ssyncadd.s32 $0xFFFFFFE0  }
0x7b: {  	[tilespmem:$0x320] =	vst v1  }
0x7c: {  	[tilespmem:$0x1C20] =	vst v2  }
0x7d: {  	[tilespmem:$0x330] =	vst v1  }
0x7e: {  	[tilespmem:$0x1C30] =	vst v2  }
0x7f: {  	[tilespmem:$0x340] =	vst v1  }
0x80: {  	[tilespmem:$0x1C40] =	vst v2  }
0x81: {  	[tilespmem:$0x350] =	vst v1  }
.Ltmp4:
0x82: {  	[tilespmem:$0x1C50] =	vst v2;
	(pc) =	sbr.rel .LBB2_9-.Ltmp4, $4  }
0x83: {  	[tilespmem:$0x360] =	vst v1  }
0x84: {  	[tilespmem:$0x1C60] =	vst v2  }
0x85: {  	[tilespmem:$0x370] =	vst v1  }
0x86: {  	s21 =	simm.s32 $0x7;
	[tilespmem:$0x1C70] =	vst v2  }
.LBB2_7:
0x87: {  	_ =	swait.ge [sflag:s0], $0xC80  }
0x88: {  	[sflag:s0] =	ssyncset.done $0x0  }
0x89: {  	[sflag:s0] =	ssyncadd.s32 $0xFFFFF380  }
0x8a: {  	_ =	swait.ge [sflag:s2], $0x80  }
0x8b: {  	[sflag:s2] =	ssyncset.done $0x0  }
0x8c: {  	[sflag:s2] =	ssyncadd.s32 $0xFFFFFF80  }
0x8d: {  	_ =	swait.ge [sflag:s2], $0x80  }
0x8e: {  	[sflag:s2] =	ssyncset.done $0x0  }
0x8f: {  	[sflag:s2] =	ssyncadd.s32 $0xFFFFFF80  }
0x90: {  	_ =	swait.ge [sflag:s2], $0x80  }
0x91: {  	[sflag:s2] =	ssyncset.done $0x0  }
0x92: {  	[sflag:s2] =	ssyncadd.s32 $0xFFFFFF80  }
0x93: {  	_ =	swait.ge [sflag:s2], $0x80  }
0x94: {  	[sflag:s2] =	ssyncset.done $0x0  }
0x95: {  	[sflag:s2] =	ssyncadd.s32 $0xFFFFFF80  }
0x96: {  	_ =	swait.ge [sflag:s2], $0x80  }
0x97: {  	[sflag:s2] =	ssyncset.done $0x0  }
0x98: {  	[sflag:s2] =	ssyncadd.s32 $0xFFFFFF80  }
0x99: {  	_ =	swait.ge [sflag:s2], $0x80  }
0x9a: {  	[sflag:s2] =	ssyncset.done $0x0  }
0x9b: {  	[sflag:s2] =	ssyncadd.s32 $0xFFFFFF80  }
0x9c: {  	_ =	swait.ge [sflag:s2], $0x80  }
0x9d: {  	[sflag:s2] =	ssyncset.done $0x0  }
0x9e: {  	[sflag:s2] =	ssyncadd.s32 $0xFFFFFF80  }
0x9f: {  	_ =	swait.ge [sflag:s2], $0x80  }
0xa0: {  	[sflag:s2] =	ssyncset.done $0x0  }
0xa1: {  	[sflag:s2] =	ssyncadd.s32 $0xFFFFFF80  }
0xa2: {  	_ =	swait.ge [sflag:s2], $0x80  }
0xa3: {  	[sflag:s2] =	ssyncset.done $0x0  }
0xa4: {  	[sflag:s2] =	ssyncadd.s32 $0xFFFFFF80  }
0xa5: {  	_ =	swait.ge [sflag:s2], $0x80  }
0xa6: {  	[sflag:s2] =	ssyncset.done $0x0  }
0xa7: {  	[sflag:s2] =	ssyncadd.s32 $0xFFFFFF80  }
0xa8: {  	_ =	swait.ge [sflag:s2], $0x80  }
0xa9: {  	[sflag:s2] =	ssyncset.done $0x0  }
0xaa: {  	[sflag:s2] =	ssyncadd.s32 $0xFFFFFF80  }
0xab: {  	_ =	swait.ge [sflag:s2], $0x80  }
0xac: {  	[sflag:s2] =	ssyncset.done $0x0  }
0xad: {  	[sflag:s2] =	ssyncadd.s32 $0xFFFFFF80  }
0xae: {  	_ =	swait.ge [sflag:s2], $0x80  }
0xaf: {  	[sflag:s2] =	ssyncset.done $0x0  }
0xb0: {  	[sflag:s2] =	ssyncadd.s32 $0xFFFFFF80  }
0xb1: {  	_ =	swait.ge [sflag:s2], $0x80  }
0xb2: {  	[sflag:s2] =	ssyncset.done $0x0  }
0xb3: {  	[sflag:s2] =	ssyncadd.s32 $0xFFFFFF80  }
0xb4: {  	_ =	swait.ge [sflag:s2], $0x80  }
0xb5: {  	[sflag:s2] =	ssyncset.done $0x0  }
0xb6: {  	[sflag:s2] =	ssyncadd.s32 $0xFFFFFF80  }
0xb7: {  	_ =	swait.ge [sflag:s2], $0x80  }
0xb8: {  	[sflag:s2] =	ssyncset.done $0x0  }
0xb9: {  	[sflag:s2] =	ssyncadd.s32 $0xFFFFFF80  }
0xba: {  	_ =	swait.ge [sflag:s2], $0x80  }
0xbb: {  	[sflag:s2] =	ssyncset.done $0x0  }
0xbc: {  	[sflag:s2] =	ssyncadd.s32 $0xFFFFFF80  }
0xbd: {  	_ =	swait.ge [sflag:s2], $0x80  }
0xbe: {  	[sflag:s2] =	ssyncset.done $0x0  }
0xbf: {  	[sflag:s2] =	ssyncadd.s32 $0xFFFFFF80  }
0xc0: {  	_ =	swait.ge [sflag:s2], $0x80  }
0xc1: {  	[sflag:s2] =	ssyncset.done $0x0  }
0xc2: {  	[sflag:s2] =	ssyncadd.s32 $0xFFFFFF80  }
0xc3: {  	_ =	swait.ge [sflag:s2], $0x80  }
0xc4: {  	[sflag:s2] =	ssyncset.done $0x0  }
0xc5: {  	[sflag:s2] =	ssyncadd.s32 $0xFFFFFF80  }
0xc6: {  	_ =	swait.ge [sflag:s2], $0x80  }
0xc7: {  	[sflag:s2] =	ssyncset.done $0x0  }
0xc8: {  	[sflag:s2] =	ssyncadd.s32 $0xFFFFFF80  }
0xc9: {  	_ =	swait.ge [sflag:s2], $0x80  }
0xca: {  	[sflag:s2] =	ssyncset.done $0x0  }
0xcb: {  	[sflag:s2] =	ssyncadd.s32 $0xFFFFFF80  }
0xcc: {  	_ =	swait.ge [sflag:s2], $0x80  }
0xcd: {  	[sflag:s2] =	ssyncset.done $0x0  }
0xce: {  	[sflag:s2] =	ssyncadd.s32 $0xFFFFFF80  }
0xcf: {  	_ =	swait.ge [sflag:s2], $0x80  }
0xd0: {  	[sflag:s2] =	ssyncset.done $0x0  }
0xd1: {  	[sflag:s2] =	ssyncadd.s32 $0xFFFFFF80  }
0xd2: {  	_ =	swait.ge [sflag:s2], $0x80  }
0xd3: {  	[sflag:s2] =	ssyncset.done $0x0  }
0xd4: {  	s21 =	simm.s32 $0x19;
	[sflag:s2] =	ssyncadd.s32 $0xFFFFFF80  }
.LBB2_9:
0xd5: {  	s7 =	simm.s32 $0x1900  }
0xd6: {  	s19 =	simm.s32 $0xC80;
	s20 =	simm.s32 $0x40;
	s6 =	smov.u32 s21  }
.LBB2_10:
0xd7: {  	v4 =	vld [tilespmem:s7+$0x0];
	_ =	sdelay $0x4  }
0xd8: {  	v4 =	vadd.s32 v3, v4  }
0xd9: {  	[tilespmem:s7+$0x0] =	vst v4  }
0xda: {  	v4 =	vld [tilespmem:s20+$0xFFFFFFC0];
	_ =	sdelay $0x7  }
0xdb: {  	v4 =	vld.idx.msk [tilespmem:v4+s26+$0x0], $0xffff;
	_ =	sdelay $0x4  }
0xdc: {  	[tilespmem:s19+$0x0] =	vst v4  }
0xdd: {  	v4 =	vld [tilespmem:s7+$0x10];
	_ =	sdelay $0x4  }
0xde: {  	v4 =	vadd.s32 v3, v4  }
0xdf: {  	[tilespmem:s7+$0x10] =	vst v4  }
0xe0: {  	v4 =	vld [tilespmem:s20+$0xFFFFFFD0];
	_ =	sdelay $0x7  }
0xe1: {  	v4 =	vld.idx.msk [tilespmem:v4+s26+$0x0], $0xffff;
	_ =	sdelay $0x4  }
0xe2: {  	[tilespmem:s19+$0x10] =	vst v4  }
0xe3: {  	v4 =	vld [tilespmem:s7+$0x20];
	_ =	sdelay $0x4  }
0xe4: {  	v4 =	vadd.s32 v3, v4  }
0xe5: {  	[tilespmem:s7+$0x20] =	vst v4  }
0xe6: {  	v4 =	vld [tilespmem:s20+$0xFFFFFFE0];
	_ =	sdelay $0x7  }
0xe7: {  	v4 =	vld.idx.msk [tilespmem:v4+s26+$0x0], $0xffff;
	_ =	sdelay $0x4  }
0xe8: {  	[tilespmem:s19+$0x20] =	vst v4  }
0xe9: {  	v4 =	vld [tilespmem:s7+$0x30];
	_ =	sdelay $0x4  }
0xea: {  	v4 =	vadd.s32 v3, v4  }
0xeb: {  	[tilespmem:s7+$0x30] =	vst v4  }
0xec: {  	v4 =	vld [tilespmem:s20+$0xFFFFFFF0];
	_ =	sdelay $0x7  }
0xed: {  	v4 =	vld.idx.msk [tilespmem:v4+s26+$0x0], $0xffff;
	_ =	sdelay $0x4  }
0xee: {  	[tilespmem:s19+$0x30] =	vst v4  }
0xef: {  	v4 =	vld [tilespmem:s7+$0x40];
	_ =	sdelay $0x4  }
0xf0: {  	v4 =	vadd.s32 v3, v4  }
0xf1: {  	[tilespmem:s7+$0x40] =	vst v4  }
0xf2: {  	v4 =	vld [tilespmem:s20+$0x0];
	_ =	sdelay $0x7  }
0xf3: {  	v4 =	vld.idx.msk [tilespmem:v4+s26+$0x0], $0xffff;
	_ =	sdelay $0x4  }
0xf4: {  	[tilespmem:s19+$0x40] =	vst v4  }
0xf5: {  	v4 =	vld [tilespmem:s7+$0x50];
	_ =	sdelay $0x4  }
0xf6: {  	v4 =	vadd.s32 v3, v4  }
0xf7: {  	[tilespmem:s7+$0x50] =	vst v4  }
0xf8: {  	v4 =	vld [tilespmem:s20+$0x10];
	_ =	sdelay $0x7  }
0xf9: {  	v4 =	vld.idx.msk [tilespmem:v4+s26+$0x0], $0xffff;
	_ =	sdelay $0x4  }
0xfa: {  	[tilespmem:s19+$0x50] =	vst v4  }
0xfb: {  	v4 =	vld [tilespmem:s7+$0x60];
	_ =	sdelay $0x4  }
0xfc: {  	v4 =	vadd.s32 v3, v4  }
0xfd: {  	[tilespmem:s7+$0x60] =	vst v4  }
0xfe: {  	v4 =	vld [tilespmem:s20+$0x20];
	_ =	sdelay $0x7  }
0xff: {  	v4 =	vld.idx.msk [tilespmem:v4+s26+$0x0], $0xffff;
	_ =	sdelay $0x4  }
0x100: {  	[tilespmem:s19+$0x60] =	vst v4  }
0x101: {  	v4 =	vld [tilespmem:s7+$0x70];
	_ =	sdelay $0x4  }
0x102: {  	v4 =	vadd.s32 v3, v4  }
0x103: {  	[tilespmem:s7+$0x70] =	vst v4  }
0x104: {  	v4 =	vld [tilespmem:s20+$0x30];
	_ =	sdelay $0x7  }
0x105: {  	v4 =	vld.idx.msk [tilespmem:v4+s26+$0x0], $0xffff;
	_ =	sdelay $0x1  }
0x106: {  	p1 =	sne.s32 s6, $0x1  }
.Ltmp5:
0x107: {  	_ = 	snop;
	(pc) =	sbr.rel @p1 .LBB2_10-.Ltmp5, $4  }
0x108: {  	_ = 	snop  }
0x109: {  	s6 =	sadd.s32 $0xFFFFFFFF, s6;
	[tilespmem:s19+$0x70] =	vst v4  }
0x10a: {  	[spmem:s3] =	stream.indirect.scatter.add.f32 [tilespmem:s19], [sflag:$0x4], $0x1, s7, s28, $0xb8;
	[tilespmem:$0x3000] =	vst v63  }
0x10b: {  	s20 =	sadd.s32 $0x80, s20;
	s7 =	sadd.s32 $0x80, s7;
	s19 =	sadd.s32 $0x80, s19  }
0x10c: {  	p1 =	sne.s32 s21, $0x1  }
.Ltmp6:
0x10d: {  	_ = 	snop;
	(pc) =	sbr.rel @!p1 .LBB2_13-.Ltmp6, $3  }
0x10e: {  	_ =	sdelay $0x1  }
0x10f: {  	_ =	swait.ge [sflag:s1], $0x80  }
0x110: {  	s6 =	sadd.s32 $0xFFFFFFFF, s21;
	[sflag:s1] =	ssyncset.done $0x0  }
.LBB2_12:
0x111: {  	p1 =	sne.s32 s6, $0x1;
	s6 =	sadd.s32 $0xFFFFFFFF, s6;
	[sflag:s1] =	ssyncadd.s32 $0xFFFFFF80  }
.Ltmp7:
0x112: {  	(pc) =	sbr.rel @p1 .LBB2_12-.Ltmp7, $3  }
0x113: {  	_ =	sdelay $0x1  }
0x114: {  	_ =	swait.ge [sflag:s1], $0x80  }
0x115: {  	[sflag:s1] =	ssyncset.done $0x0  }
.LBB2_13:
0x116: {  	[sflag:s1] =	ssyncadd.s32 $0xFFFFFF80  }
0x117: {  	s6 =	simm.s32 $0x2B80;
	[bflag:$0x0] =	sbarrier.arrive $0xFFFF  }
0x118: {  	[tilespmem:s6], [sflag:$0x5] =	stream.linear.gather [spmem:s8], $0x40, $0x38;
	[tilespmem:$0x3000] =	vst v63  }
0x119: {  	s21 =	simm.s32 $0x2BC0  }
0x11a: {  	[tilespmem:s21], [sflag:$0x5] =	stream.linear.gather [spmem:s10], $0x40, $0x38;
	[tilespmem:$0x3000] =	vst v63  }
0x11b: {  	s7 =	simm.s32 $0x2C00  }
0x11c: {  	[tilespmem:s7], [sflag:$0x5] =	stream.linear.gather [spmem:s11], $0x40, $0x38;
	[tilespmem:$0x3000] =	vst v63  }
0x11d: {  	s19 =	simm.s32 $0x2C40  }
0x11e: {  	[tilespmem:s19], [sflag:$0x5] =	stream.linear.gather [spmem:s12], $0x40, $0x38;
	[tilespmem:$0x3000] =	vst v63  }
0x11f: {  	s20 =	simm.s32 $0x2C80  }
0x120: {  	[tilespmem:s20], [sflag:$0x5] =	stream.linear.gather [spmem:s13], $0x40, $0x38;
	[tilespmem:$0x3000] =	vst v63  }
0x121: {  	s21 =	simm.s32 $0x2CC0  }
0x122: {  	[tilespmem:s21], [sflag:$0x5] =	stream.linear.gather [spmem:s14], $0x40, $0x38;
	[tilespmem:$0x3000] =	vst v63  }
0x123: {  	_ = 	snop  }
0x124: {  	[tilespmem:s22], [sflag:$0x5] =	stream.linear.gather [spmem:s15], $0x40, $0x38;
	[tilespmem:$0x3000] =	vst v63  }
0x125: {  	_ = 	snop  }
0x126: {  	[tilespmem:s29], [sflag:$0x5] =	stream.linear.gather [spmem:s16], $0x40, $0x38;
	[tilespmem:$0x3000] =	vst v63  }
0x127: {  	_ =	swait.ge [sflag:s23], $0x40  }
0x128: {  	[sflag:s23] =	ssyncset.done $0x0  }
0x129: {  	[sflag:s23] =	ssyncadd.s32 $0xFFFFFFC0  }
0x12a: {  	_ =	swait.ge [sflag:s23], $0x40  }
0x12b: {  	[sflag:s23] =	ssyncset.done $0x0  }
0x12c: {  	[sflag:s23] =	ssyncadd.s32 $0xFFFFFFC0  }
0x12d: {  	_ =	swait.ge [sflag:s23], $0x40  }
0x12e: {  	[sflag:s23] =	ssyncset.done $0x0  }
0x12f: {  	[sflag:s23] =	ssyncadd.s32 $0xFFFFFFC0  }
0x130: {  	_ =	swait.ge [sflag:s23], $0x40  }
0x131: {  	[sflag:s23] =	ssyncset.done $0x0  }
0x132: {  	[sflag:s23] =	ssyncadd.s32 $0xFFFFFFC0  }
0x133: {  	_ =	swait.ge [sflag:s23], $0x40  }
0x134: {  	[sflag:s23] =	ssyncset.done $0x0  }
0x135: {  	[sflag:s23] =	ssyncadd.s32 $0xFFFFFFC0  }
0x136: {  	_ =	swait.ge [sflag:s23], $0x40  }
0x137: {  	[sflag:s23] =	ssyncset.done $0x0  }
0x138: {  	[sflag:s23] =	ssyncadd.s32 $0xFFFFFFC0  }
0x139: {  	_ =	swait.ge [sflag:s23], $0x40  }
0x13a: {  	[sflag:s23] =	ssyncset.done $0x0  }
0x13b: {  	[sflag:s23] =	ssyncadd.s32 $0xFFFFFFC0  }
0x13c: {  	_ =	swait.ge [sflag:s23], $0x40  }
0x13d: {  	[sflag:s23] =	ssyncset.done $0x0  }
0x13e: {  	[sflag:s23] =	ssyncadd.s32 $0xFFFFFFC0  }
0x13f: {  	v4 =	vld [tilespmem:$0x2B80]  }
0x140: {  	v5 =	vld [tilespmem:$0x2BC0]  }
0x141: {  	v6 =	vld [tilespmem:$0x2C00]  }
0x142: {  	v7 =	vld [tilespmem:$0x2C40]  }
0x143: {  	v8 =	vld [tilespmem:$0x2C80]  }
0x144: {  	v9 =	vld [tilespmem:$0x2CC0]  }
0x145: {  	v10 =	vld [tilespmem:$0x2D00]  }
0x146: {  	v11 =	vld [tilespmem:$0x2D40]  }
0x147: {  	v12 =	vld [tilespmem:$0x2B90]  }
0x148: {  	v13 =	vld [tilespmem:$0x2BD0]  }
0x149: {  	v14 =	vld [tilespmem:$0x2C10]  }
0x14a: {  	v15 =	vld [tilespmem:$0x2C50]  }
0x14b: {  	v16 =	vld [tilespmem:$0x2C90]  }
0x14c: {  	v17 =	vld [tilespmem:$0x2CD0]  }
0x14d: {  	v18 =	vld [tilespmem:$0x2D10]  }
0x14e: {  	v19 =	vld [tilespmem:$0x2D50]  }
0x14f: {  	v20 =	vld [tilespmem:$0x2BA0]  }
0x150: {  	v21 =	vld [tilespmem:$0x2BE0]  }
0x151: {  	v22 =	vld [tilespmem:$0x2BB0]  }
0x152: {  	v23 =	vld [tilespmem:$0x2BF0]  }
0x153: {  	v24 =	vld [tilespmem:$0x2C20]  }
0x154: {  	v4 =	vadd.f32 v5, v4;
	v5 =	vld [tilespmem:$0x2C30]  }
0x155: {  	v51 =	vld [tilespmem:$0x2C60];
	v12 =	vadd.f32 v13, v12  }
0x156: {  	v53 =	vld [tilespmem:$0x2C70];
	v52 =	vadd.f32 v21, v20;
	v4 =	vadd.f32 v6, v4  }
0x157: {  	v55 =	vld [tilespmem:$0x2CA0];
	v54 =	vadd.f32 v23, v22;
	v12 =	vadd.f32 v14, v12  }
0x158: {  	v56 =	vld [tilespmem:$0x2CB0];
	v6 =	vadd.f32 v24, v52;
	v4 =	vadd.f32 v7, v4  }
0x159: {  	v57 =	vld [tilespmem:$0x2CE0];
	v12 =	vadd.f32 v15, v12;
	v5 =	vadd.f32 v5, v54  }
0x15a: {  	v58 =	vld [tilespmem:$0x2CF0];
	v6 =	vadd.f32 v51, v6;
	v4 =	vadd.f32 v8, v4  }
0x15b: {  	v59 =	vld [tilespmem:$0x2D20];
	v12 =	vadd.f32 v16, v12;
	v5 =	vadd.f32 v53, v5  }
0x15c: {  	v60 =	vld [tilespmem:$0x2D30];
	v6 =	vadd.f32 v55, v6;
	v4 =	vadd.f32 v9, v4  }
0x15d: {  	v61 =	vld [tilespmem:$0x2D60];
	v12 =	vadd.f32 v17, v12;
	v5 =	vadd.f32 v56, v5  }
0x15e: {  	v62 =	vld [tilespmem:$0x2D70];
	v6 =	vadd.f32 v57, v6;
	v4 =	vadd.f32 v10, v4  }
0x15f: {  	v12 =	vadd.f32 v18, v12;
	v5 =	vadd.f32 v58, v5  }
0x160: {  	v6 =	vadd.f32 v59, v6;
	v4 =	vadd.f32 v11, v4  }
0x161: {  	v63 =	vadd.f32 v19, v12;
	v5 =	vadd.f32 v60, v5  }
0x162: {  	[tilespmem:$0x2D80] =	vst v4;
	v4 =	vadd.f32 v61, v6  }
0x163: {  	s5 =	sadd.s32 $0x1, s5;
	[tilespmem:$0x2D90] =	vst v63;
	v5 =	vadd.f32 v62, v5  }
0x164: {  	p1 =	sne.s32 s5, s18;
	[tilespmem:$0x2DA0] =	vst v4  }
.Ltmp8:
0x165: {  	[tilespmem:$0x2DB0] =	vst v5;
	(pc) =	sbr.rel @p1 .LBB2_1-.Ltmp8, $4  }
0x166: {  	[hbm4b:s17+s4] =	stream.linear.scatter [tilespmem:s25], [sflag:$0x6], $0x40, $0x38;
	[tilespmem:$0x3000] =	vst v63  }
0x167: {  	_ =	swait.ge [sflag:s30], $0x40  }
0x168: {  	[sflag:s30] =	ssyncset.done $0x0  }
0x169: {  	[sflag:s30] =	ssyncadd.s32 $0xFFFFFFC0  }
0x16a: {  	_ =	sfence.sel $0x180000  }
0x16b: {  	[bflag:$0x0] =	sbarrier.arrive $0xFFFF  }
0x16c: {  	_ =	strace $0x90000047  }
0x16d: {  	s0 =	stileid.u32;
	[bflag:$0x2] =	sbarrier.arrive $0xFFFF  }
0x16e: {  	p0 =	sne.s32 s0, $0x0;
	s0 =	rddreg [dreg:$0x5]  }
0x16f: {  	s0 =	sadd.s32 @!p0 $0x100000, s0  }
0x170: {  	[sflag:s0] =	ssyncadd.tile.s32 @!p0 $0x1;
	_ =	shalt  }
.Lfunc_end2:
_tile_overlayer_lowered:
.L_overlay_start_2:
0x171: {  	(tag) =	ssettag $0x2  }
0x172: {  	s0 =	rddreg [dreg:$0x0];
	s2 =	stileid.u32  }
0x173: {  	s1 =	rddreg [dreg:$0x1];
	p0 =	sne.s32 s2, $0x0  }
0x174: {  	s3 =	rddreg [dreg:$0x2];
	[bflag:$0x3] =	sbarrier.arrive $0xFFFF;
	s2 =	simm.s32 @!p0 $0x1C06  }
0x175: {  	[timem:s3], [sflag:s2] =	dma.local @!p0 [hbm:s0], s1  }
0x176: {  	s0 =	simm.s32 @!p0 $0x6  }
0x177: {  	_ =	swait.ge @!p0 [sflag:s0], s1  }
0x178: {  	s1 =	ssub.s32 @!p0 $0x0, s1;
	[sflag:s0] =	ssyncset.done @!p0 $0x0  }
0x179: {  	[sflag:s0] =	ssyncadd.s32 @!p0 s1  }
0x17a: {  	[bflag:$0x3] =	sbarrier.arrive $0xFFFF  }
0x17b: {  	_ =	shalt  }

</sc_bundles>
